<compile_context>
chip_gen: v7x
topology: tpu7x:2x2x1
jax: 0.10.2.dev20260603
libtpu: 0.0.44.dev20260713+nightly
codegen_flags: <defaults>
</compile_context>

<pallas_src>
import functools

import jax
import jax.numpy as jnp
from jax import lax
from jax.experimental import pallas as pl
from jax.experimental.pallas import tpu as pltpu
from jax.experimental.pallas import tpu_sc as plsc

N_NODES = 10000
D = 128
N_EDGES = 320000
BN_EPS = 1e-5

NC = 2
NS = 16
NW = NC * NS
WIN = 112
NWIN = 90
EDGES_PER_WORKER = WIN * NWIN
E_PAD = EDGES_PER_WORKER * NW
N_PAD = 10240
ROWS_PER_SUB = N_PAD // NS
ZCHUNK = 128


NBUF = 3
IB = 6


def _sc_agg_body(h_hbm, src_hbm, dst_hbm, out_hbm, shared, sidx, didx,
                 rows, isem, gsem, ssem):
    cid = lax.axis_index("c")
    sid = lax.axis_index("s")
    wid = sid * NC + cid
    base = wid * EDGES_PER_WORKER

    def idx_copies(k, slot):
        return (
            pltpu.make_async_copy(src_hbm.at[pl.ds(base + k * WIN, WIN)],
                                  sidx.at[slot], isem),
            pltpu.make_async_copy(dst_hbm.at[pl.ds(base + k * WIN, WIN)],
                                  didx.at[slot], isem),
        )

    def gather(k, slot, rslot):
        return pltpu.make_async_copy(h_hbm.at[sidx.at[slot]], rows.at[rslot],
                                     gsem)

    def scatter(k, slot, rslot):
        return pltpu.make_async_copy(rows.at[rslot], shared.at[didx.at[slot]],
                                     ssem)

    zvec = jnp.zeros((16,), jnp.float32)

    @pl.loop(0, WIN)
    def _(r):
        @pl.loop(0, D // 16)
        def _(c):
            rows[0, r, pl.ds(c * 16, 16)] = zvec

    @pl.loop(0, ROWS_PER_SUB // 80)
    def _(j):
        pltpu.sync_copy(rows.at[0].at[pl.ds(0, 80)],
                        shared.at[pl.ds(sid * ROWS_PER_SUB + j * 80, 80)])

    plsc.subcore_barrier()

    for k in range(IB):
        a, b = idx_copies(k, k)
        a.start()
        b.start()

    @pl.loop(0, NWIN, step=IB)
    def _(k0):
        for j in range(IB):
            k = k0 + j
            a, b = idx_copies(k, j)
            a.wait()
            b.wait()
            gather(k, j, j % NBUF).start()

            @pl.when(k >= 1)
            def _():
                km1 = k - 1
                gather(km1, (j - 1) % IB, (j - 1) % NBUF).wait()
                scatter(km1, (j - 1) % IB, (j - 1) % NBUF).start(add=True)

            @pl.when(k >= 2)
            def _():
                km2 = k - 2
                scatter(km2, (j - 2) % IB, (j - 2) % NBUF).wait()

                @pl.when(k + IB - 2 < NWIN)
                def _():
                    a2, b2 = idx_copies(k + IB - 2, (j - 2) % IB)
                    a2.start()
                    b2.start()

    kl = NWIN - 1
    gather(kl, (kl % IB), kl % NBUF).wait()
    scatter(kl, (kl % IB), kl % NBUF).start(add=True)
    scatter(kl - 1, (kl - 1) % IB, (kl - 1) % NBUF).wait()
    scatter(kl, kl % IB, kl % NBUF).wait()

    plsc.subcore_barrier()

    @pl.loop(0, ROWS_PER_SUB // ZCHUNK)
    def _(j):
        r0 = sid * ROWS_PER_SUB + j * ZCHUNK
        pltpu.sync_copy(shared.at[pl.ds(r0, ZCHUNK)],
                        out_hbm.at[cid].at[pl.ds(r0, ZCHUNK)])


@jax.jit
def _sc_agg(h, src, dst):
    kern = pl.kernel(
        _sc_agg_body,
        out_type=jax.ShapeDtypeStruct((NC, N_PAD, D), jnp.float32),
        mesh=plsc.VectorSubcoreMesh(core_axis_name="c", subcore_axis_name="s"),
        scratch_types=[
            pltpu.VMEM_SHARED((N_PAD, D), jnp.float32),
            pltpu.VMEM((IB, WIN), jnp.int32),
            pltpu.VMEM((IB, WIN), jnp.int32),
            pltpu.VMEM((NBUF, WIN, D), jnp.float32),
            pltpu.SemaphoreType.DMA,
            pltpu.SemaphoreType.DMA,
            pltpu.SemaphoreType.DMA,
        ],
    )
    return kern(h, src, dst)


def _dot(a, b):
    return lax.dot_general(a, b, (((1,), (0,)), ((), ())),
                           preferred_element_type=jnp.float32,
                           precision=lax.Precision.DEFAULT)


def _bn_relu(z, gamma, beta):
    mean = jnp.mean(z, axis=0, keepdims=True)
    var = jnp.mean((z - mean) ** 2, axis=0, keepdims=True)
    z = (z - mean) / jnp.sqrt(var + BN_EPS) * gamma + beta
    return jnp.maximum(z, 0.0)


def _tc_layer_a_body(h_ref, a0_ref, a1_ref, w1_ref, b1_ref, w2_ref, b2_ref,
                     g_ref, be_ref, o_ref):
    z = h_ref[...] + a0_ref[...] + a1_ref[...]
    z = jnp.maximum(_dot(z, w1_ref[...]) + b1_ref[...], 0.0)
    z = _dot(z, w2_ref[...]) + b2_ref[...]
    o_ref[...] = _bn_relu(z, g_ref[...], be_ref[...])


def _tc_layer_b_body(h_ref, a0_ref, a1_ref, w1_ref, b1_ref, w2_ref, b2_ref,
                     g_ref, be_ref, wp_ref, bp_ref, o_ref):
    z = h_ref[...] + a0_ref[...] + a1_ref[...]
    z = jnp.maximum(_dot(z, w1_ref[...]) + b1_ref[...], 0.0)
    z = _dot(z, w2_ref[...]) + b2_ref[...]
    h = _bn_relu(z, g_ref[...], be_ref[...])
    p = _dot(h, wp_ref[...]) + bp_ref[...]
    norm = jnp.sqrt(jnp.sum(p * p, axis=-1, keepdims=True))
    o_ref[...] = p / jnp.maximum(norm, 1e-12)


_tc_layer_a = pl.pallas_call(
    _tc_layer_a_body,
    out_shape=jax.ShapeDtypeStruct((N_NODES, D), jnp.float32),
)

_tc_layer_b = pl.pallas_call(
    _tc_layer_b_body,
    out_shape=jax.ShapeDtypeStruct((N_NODES, D), jnp.float32),
)


def kernel(x, edge_index, W1a, b1a, W2a, b2a, gamma_a, beta_a,
           W1b, b1b, W2b, b2b, gamma_b, beta_b, Wp, bp):
    src = edge_index[0].astype(jnp.int32)
    dst = edge_index[1].astype(jnp.int32)
    npad = E_PAD - N_EDGES
    pad_per_w = npad // NW
    real_per_w = N_EDGES // NW
    src = jnp.concatenate(
        [src.reshape(NW, real_per_w),
         jnp.zeros((NW, pad_per_w), jnp.int32)], axis=1).reshape(-1)
    pad_dst = (N_NODES +
               (jnp.arange(npad, dtype=jnp.int32) % (N_PAD - N_NODES)))
    dst = jnp.concatenate(
        [dst.reshape(NW, real_per_w),
         pad_dst.reshape(NW, pad_per_w)], axis=1).reshape(-1)

    agg = _sc_agg(x, src, dst)
    h1 = _tc_layer_a(x, agg[0, :N_NODES], agg[1, :N_NODES], W1a, b1a.reshape(1, D),
                     W2a, b2a.reshape(1, D), gamma_a.reshape(1, D),
                     beta_a.reshape(1, D))
    agg2 = _sc_agg(h1, src, dst)
    out = _tc_layer_b(h1, agg2[0, :N_NODES], agg2[1, :N_NODES], W1b, b1b.reshape(1, D),
                      W2b, b2b.reshape(1, D), gamma_b.reshape(1, D),
                      beta_b.reshape(1, D), Wp, bp.reshape(1, D))
    return out

# --- scband reference (transcript-rebuilt; emitter-appended) ---
"""Pipeline reference for scband-ginencoder-39599598469629 (READ-ONLY COPY).

The authoritative reference and input builder live on the scoring server;
editing this copy changes nothing except your own understanding.
"""

import jax, jax.numpy as jnp
import numpy as np

N_NODES = 10000
N_EDGES = 320000
D_FEAT = 128
HIDDEN = 128
EMBED = 128
BN_EPS = 1e-5


def setup_inputs(seed: int = 0) -> dict:
    key = jax.random.key(seed)
    ks = jax.random.split(key, 16)
    x = jax.random.normal(ks[0], (N_NODES, D_FEAT), dtype=jnp.float32)
    edge_index = jax.random.randint(ks[1], (2, N_EDGES), 0, N_NODES, dtype=jnp.int64)
    s_in = 1.0 / np.sqrt(D_FEAT)
    s_h = 1.0 / np.sqrt(HIDDEN)
    inp = {
        "x": x,
        "edge_index": edge_index,
        "W1a": jax.random.normal(ks[2], (D_FEAT, HIDDEN), dtype=jnp.float32) * s_in,
        "b1a": jnp.zeros((HIDDEN,), dtype=jnp.float32),
        "W2a": jax.random.normal(ks[3], (HIDDEN, HIDDEN), dtype=jnp.float32) * s_h,
        "b2a": jnp.zeros((HIDDEN,), dtype=jnp.float32),
        "gamma_a": jnp.ones((HIDDEN,), dtype=jnp.float32),
        "beta_a": jnp.zeros((HIDDEN,), dtype=jnp.float32),
        "W1b": jax.random.normal(ks[4], (HIDDEN, HIDDEN), dtype=jnp.float32) * s_h,
        "b1b": jnp.zeros((HIDDEN,), dtype=jnp.float32),
        "W2b": jax.random.normal(ks[5], (HIDDEN, HIDDEN), dtype=jnp.float32) * s_h,
        "b2b": jnp.zeros((HIDDEN,), dtype=jnp.float32),
        "gamma_b": jnp.ones((HIDDEN,), dtype=jnp.float32),
        "beta_b": jnp.zeros((HIDDEN,), dtype=jnp.float32),
        "Wp": jax.random.normal(ks[6], (HIDDEN, EMBED), dtype=jnp.float32) * s_h,
        "bp": jnp.zeros((EMBED,), dtype=jnp.float32),
    }
    return inp


def _gin_layer(h, src, dst, W1, b1, W2, b2, gamma, beta):
    # GINConv with eps=0 (train_eps=False): mlp((1+eps)*x + sum_{j in N(i)} x_j)
    agg = jnp.zeros_like(h).at[dst].add(h[src])
    z = h + agg
    z = jnp.maximum(z @ W1 + b1, 0.0) @ W2 + b2
    # BatchNorm1d (training-mode batch statistics, biased variance)
    mean = jnp.mean(z, axis=0)
    var = jnp.mean((z - mean) ** 2, axis=0)
    z = (z - mean) / jnp.sqrt(var + BN_EPS) * gamma + beta
    return jnp.maximum(z, 0.0)


def reference(x, edge_index, W1a, b1a, W2a, b2a, gamma_a, beta_a,
              W1b, b1b, W2b, b2b, gamma_b, beta_b, Wp, bp):
    src = edge_index[0]
    dst = edge_index[1]
    h = _gin_layer(x, src, dst, W1a, b1a, W2a, b2a, gamma_a, beta_a)
    # dropout is identity in deterministic reference
    h = _gin_layer(h, src, dst, W1b, b1b, W2b, b2b, gamma_b, beta_b)
    h = h @ Wp + bp
    norm = jnp.sqrt(jnp.sum(h * h, axis=-1, keepdims=True))
    h = h / jnp.maximum(norm, 1e-12)
    return h

if __name__ == "__main__":
    import jax
    _d = setup_inputs()
    print(jax.jit(kernel)(*tuple(_d.values())))

</pallas_src>

<mosaic_0001>
#map = affine_map<(d0, d1) -> (0, 0)>
#map1 = affine_map<(d0, d1) -> (0)>
#map2 = affine_map<(d0, d1) -> (0, 0, 0)>
module attributes {stable_mosaic.version = 14 : i64} {
  func.func @_sc_agg_body(%arg0: i32, %arg1: i32, %arg2: memref<10000x128xf32, #tpu.memory_space<hbm>>, %arg3: memref<322560xi32, #tpu.memory_space<hbm>>, %arg4: memref<322560xi32, #tpu.memory_space<hbm>>, %arg5: memref<2x10240x128xf32, #tpu.memory_space<hbm>>, %arg6: memref<10240x128xf32, #tpu.memory_space<vmem_shared>>, %arg7: memref<6x112xi32, #tpu.memory_space<vmem>>, %arg8: memref<6x112xi32, #tpu.memory_space<vmem>>, %arg9: memref<3x112x128xf32, #tpu.memory_space<vmem>>, %arg10: memref<!tpu.dma_semaphore, #tpu.memory_space<semaphore_mem>>, %arg11: memref<!tpu.dma_semaphore, #tpu.memory_space<semaphore_mem>>, %arg12: memref<!tpu.dma_semaphore, #tpu.memory_space<semaphore_mem>>) attributes {dimension_semantics = [#tpu.dimension_semantics<core_parallel>, #tpu.dimension_semantics<subcore_parallel>], iteration_bounds = array<i64: 2, 16>, scalar_prefetch = 0 : i64, scratch_operands = 7 : i64, tpu.core_type = #tpu.core_type<sc_vector_subcore>, window_params = [{transform_indices = #map}, {transform_indices = #map1}, {transform_indices = #map1}, {transform_indices = #map2}]} {
    %mul3A = arith.constant 2 : i32
    %mul3A_0 = arith.muli %arg1, %mul3A : i32
    %add3A = arith.addi %mul3A_0, %arg0 : i32
    %mul3A_1 = arith.constant 10080 : i32
    %mul3A_2 = arith.muli %add3A, %mul3A_1 : i32
    %broadcast_in_dim3A = arith.constant 0.000000e+00 : f32
    %broadcast_in_dim3A_3 = vector.broadcast %broadcast_in_dim3A : f32 to vector<16xf32>
    %scan3A = arith.constant 0 : i32
    %scan3A_4 = arith.constant 112 : i32
    %scan3A_5 = arith.addi %scan3A, %scan3A_4 : i32
    %scan3A_6 = arith.constant 1 : i32
    scf.for %scan3A_202 = %scan3A to %scan3A_5 step %scan3A_6  : i32 {
      %mul3A_203 = arith.constant 1 : i32
      %mul3A_204 = arith.muli %scan3A_202, %mul3A_203 : i32
      %add3A_205 = arith.constant 0 : i32
      %add3A_206 = arith.addi %add3A_205, %mul3A_204 : i32
      %scan3A_207 = arith.constant 0 : i32
      %scan3A_208 = arith.constant 8 : i32
      %scan3A_209 = arith.addi %scan3A_207, %scan3A_208 : i32
      %scan3A_210 = arith.constant 1 : i32
      scf.for %scan3A_212 = %scan3A_207 to %scan3A_209 step %scan3A_210  : i32 {
        %mul3A_213 = arith.constant 1 : i32
        %mul3A_214 = arith.muli %scan3A_212, %mul3A_213 : i32
        %add3A_215 = arith.constant 0 : i32
        %add3A_216 = arith.addi %add3A_215, %mul3A_214 : i32
        %mul3A_217 = arith.constant 16 : i32
        %mul3A_218 = arith.muli %add3A_216, %mul3A_217 : i32
        %swap3A = arith.constant 0 : i32
        %swap3A_219 = arith.index_cast %swap3A : i32 to index
        %swap3A_220 = arith.index_cast %add3A_206 : i32 to index
        %swap3A_221 = arith.index_cast %mul3A_218 : i32 to index
        %swap3A_222 = tpu.vector_load %arg9[%swap3A_219, %swap3A_220, %swap3A_221] {strides = array<i32>} : memref<3x112x128xf32, #tpu.memory_space<vmem>>, vector<1x1x16xf32>,
        %swap3A_223 = vector.shape_cast %swap3A_222 : vector<1x1x16xf32> to vector<16xf32>
        %swap3A_224 = vector.shape_cast %broadcast_in_dim3A_3 : vector<16xf32> to vector<1x1x16xf32>
        tpu.vector_store %arg9[%swap3A_219, %swap3A_220, %swap3A_221], %swap3A_224 {strides = array<i32>} : memref<3x112x128xf32, #tpu.memory_space<vmem>>, vector<1x1x16xf32>,
      }
      %scan3A_211 = arith.constant 8 : i32
    }
    %scan3A_7 = arith.constant 112 : i32
    %scan3A_8 = arith.constant 0 : i32
    %scan3A_9 = arith.constant 8 : i32
    %scan3A_10 = arith.addi %scan3A_8, %scan3A_9 : i32
    %scan3A_11 = arith.constant 1 : i32
    scf.for %scan3A_202 = %scan3A_8 to %scan3A_10 step %scan3A_11  : i32 {
      %mul3A_203 = arith.constant 1 : i32
      %mul3A_204 = arith.muli %scan3A_202, %mul3A_203 : i32
      %add3A_205 = arith.constant 0 : i32
      %add3A_206 = arith.addi %add3A_205, %mul3A_204 : i32
      %mul3A_207 = arith.constant 640 : i32
      %mul3A_208 = arith.muli %arg1, %mul3A_207 : i32
      %mul3A_209 = arith.constant 80 : i32
      %mul3A_210 = arith.muli %add3A_206, %mul3A_209 : i32
      %add3A_211 = arith.addi %mul3A_208, %mul3A_210 : i32
      %run_scoped3A = arith.constant 0 : i32
      "tpu.region"() ({
        %run_scoped3A_212 = tpu.sem_alloc : memref<!tpu.dma_semaphore, #tpu.memory_space<semaphore_mem>>
        %dma_start3A_213 = arith.constant 0 : i32
        %dma_start3A_214 = arith.constant 0 : i32
        %dma_start3A_215 = tpu.memref_slice %arg9[%run_scoped3A, %dma_start3A_213, %dma_start3A_214] : memref<3x112x128xf32, #tpu.memory_space<vmem>> -> memref<1x112x128xf32, #tpu.memory_space<vmem>>
        %dma_start3A_216 = tpu.memref_squeeze %dma_start3A_215 : memref<1x112x128xf32, #tpu.memory_space<vmem>> -> memref<112x128xf32, #tpu.memory_space<vmem>>
        %dma_start3A_217 = arith.constant 0 : i32
        %dma_start3A_218 = arith.constant 0 : i32
        %dma_start3A_219 = tpu.memref_slice %dma_start3A_216[%dma_start3A_217, %dma_start3A_218] : memref<112x128xf32, #tpu.memory_space<vmem>> -> memref<80x128xf32, #tpu.memory_space<vmem>>
        %dma_start3A_220 = arith.constant 0 : i32
        %dma_start3A_221 = tpu.memref_slice %arg6[%add3A_211, %dma_start3A_220] : memref<10240x128xf32, #tpu.memory_space<vmem_shared>> -> memref<80x128xf32, #tpu.memory_space<vmem_shared>>
        %dma_start3A_222 = arith.constant 0 : i32
        %dma_start3A_223 = tpu.memref_slice %arg6[%add3A_211, %dma_start3A_222] : memref<10240x128xf32, #tpu.memory_space<vmem_shared>> -> memref<80x128xf32, #tpu.memory_space<vmem_shared>>
        %dma_start3A_224 = arith.constant 0 : i32
        %dma_start3A_225 = arith.constant 0 : i32
        %dma_start3A_226 = tpu.memref_slice %arg9[%run_scoped3A, %dma_start3A_224, %dma_start3A_225] : memref<3x112x128xf32, #tpu.memory_space<vmem>> -> memref<1x112x128xf32, #tpu.memory_space<vmem>>
        %dma_start3A_227 = tpu.memref_squeeze %dma_start3A_226 : memref<1x112x128xf32, #tpu.memory_space<vmem>> -> memref<112x128xf32, #tpu.memory_space<vmem>>
        %dma_start3A_228 = arith.constant 0 : i32
        %dma_start3A_229 = arith.constant 0 : i32
        %dma_start3A_230 = tpu.memref_slice %dma_start3A_227[%dma_start3A_228, %dma_start3A_229] : memref<112x128xf32, #tpu.memory_space<vmem>> -> memref<80x128xf32, #tpu.memory_space<vmem>>
        tpu.enqueue_dma source(%dma_start3A_230 : memref<80x128xf32, #tpu.memory_space<vmem>>) target(%dma_start3A_223 : memref<80x128xf32, #tpu.memory_space<vmem_shared>>) target_semaphore(%run_scoped3A_212 : memref<!tpu.dma_semaphore, #tpu.memory_space<semaphore_mem>>)
        %dma_wait3A_231 = arith.constant 0 : i32
        %dma_wait3A_232 = arith.constant 0 : i32
        %dma_wait3A_233 = tpu.memref_slice %arg9[%run_scoped3A, %dma_wait3A_231, %dma_wait3A_232] : memref<3x112x128xf32, #tpu.memory_space<vmem>> -> memref<1x112x128xf32, #tpu.memory_space<vmem>>
        %dma_wait3A_234 = tpu.memref_squeeze %dma_wait3A_233 : memref<1x112x128xf32, #tpu.memory_space<vmem>> -> memref<112x128xf32, #tpu.memory_space<vmem>>
        %dma_wait3A_235 = arith.constant 0 : i32
        %dma_wait3A_236 = arith.constant 0 : i32
        %dma_wait3A_237 = tpu.memref_slice %dma_wait3A_234[%dma_wait3A_235, %dma_wait3A_236] : memref<112x128xf32, #tpu.memory_space<vmem>> -> memref<80x128xf32, #tpu.memory_space<vmem>>
        %dma_wait3A_238 = arith.constant 0 : i32
        %dma_wait3A_239 = tpu.memref_slice %arg6[%add3A_211, %dma_wait3A_238] : memref<10240x128xf32, #tpu.memory_space<vmem_shared>> -> memref<80x128xf32, #tpu.memory_space<vmem_shared>>
        %dma_wait3A_240 = arith.constant 0 : i32
        %dma_wait3A_241 = tpu.memref_slice %arg6[%add3A_211, %dma_wait3A_240] : memref<10240x128xf32, #tpu.memory_space<vmem_shared>> -> memref<80x128xf32, #tpu.memory_space<vmem_shared>>
        %dma_wait3A_242 = arith.constant 0 : i32
        %dma_wait3A_243 = arith.constant 0 : i32
        %dma_wait3A_244 = tpu.memref_slice %arg9[%run_scoped3A, %dma_wait3A_242, %dma_wait3A_243] : memref<3x112x128xf32, #tpu.memory_space<vmem>> -> memref<1x112x128xf32, #tpu.memory_space<vmem>>
        %dma_wait3A_245 = tpu.memref_squeeze %dma_wait3A_244 : memref<1x112x128xf32, #tpu.memory_space<vmem>> -> memref<112x128xf32, #tpu.memory_space<vmem>>
        %dma_wait3A_246 = arith.constant 0 : i32
        %dma_wait3A_247 = arith.constant 0 : i32
        %dma_wait3A_248 = tpu.memref_slice %dma_wait3A_245[%dma_wait3A_246, %dma_wait3A_247] : memref<112x128xf32, #tpu.memory_space<vmem>> -> memref<80x128xf32, #tpu.memory_space<vmem>>
        tpu.wait_dma2 semaphore(%run_scoped3A_212 : memref<!tpu.dma_semaphore, #tpu.memory_space<semaphore_mem>>) src(%dma_wait3A_248 : memref<80x128xf32, #tpu.memory_space<vmem>>) dst(%dma_wait3A_241 : memref<80x128xf32, #tpu.memory_space<vmem_shared>>)
        tpu.yield
      }) : () -> ()
    }
    %scan3A_12 = arith.constant 8 : i32
    %barrier3A = arith.constant 0 : index
    tpu.barrier barrier_id(%barrier3A)
    %add3A_13 = arith.constant 0 : i32
    %add3A_14 = arith.addi %mul3A_2, %add3A_13 : i32
    %add3A_15 = arith.constant 0 : i32
    %add3A_16 = arith.addi %mul3A_2, %add3A_15 : i32
    %dma_start3A = arith.constant 0 : i32
    %dma_start3A_17 = arith.constant 0 : i32
    %dma_start3A_18 = tpu.memref_slice %arg7[%dma_start3A, %dma_start3A_17] : memref<6x112xi32, #tpu.memory_space<vmem>> -> memref<1x112xi32, #tpu.memory_space<vmem>>
    %dma_start3A_19 = tpu.memref_squeeze %dma_start3A_18 : memref<1x112xi32, #tpu.memory_space<vmem>> -> memref<112xi32, #tpu.memory_space<vmem>>
    %dma_start3A_20 = tpu.memref_slice %arg3[%add3A_14] : memref<322560xi32, #tpu.memory_space<hbm>> -> memref<112xi32, #tpu.memory_space<hbm>>
    %dma_start3A_21 = arith.constant 0 : i32
    %dma_start3A_22 = tpu.memref_slice %arg7[%dma_start3A, %dma_start3A_21] : memref<6x112xi32, #tpu.memory_space<vmem>> -> memref<1x112xi32, #tpu.memory_space<vmem>>
    %dma_start3A_23 = tpu.memref_squeeze %dma_start3A_22 : memref<1x112xi32, #tpu.memory_space<vmem>> -> memref<112xi32, #tpu.memory_space<vmem>>
    %dma_start3A_24 = tpu.memref_slice %arg3[%add3A_14] : memref<322560xi32, #tpu.memory_space<hbm>> -> memref<112xi32, #tpu.memory_space<hbm>>
    tpu.enqueue_dma source(%dma_start3A_24 : memref<112xi32, #tpu.memory_space<hbm>>) target(%dma_start3A_23 : memref<112xi32, #tpu.memory_space<vmem>>) target_semaphore(%arg10 : memref<!tpu.dma_semaphore, #tpu.memory_space<semaphore_mem>>)
    %dma_start3A_25 = arith.constant 0 : i32
    %dma_start3A_26 = arith.constant 0 : i32
    %dma_start3A_27 = tpu.memref_slice %arg8[%dma_start3A_25, %dma_start3A_26] : memref<6x112xi32, #tpu.memory_space<vmem>> -> memref<1x112xi32, #tpu.memory_space<vmem>>
    %dma_start3A_28 = tpu.memref_squeeze %dma_start3A_27 : memref<1x112xi32, #tpu.memory_space<vmem>> -> memref<112xi32, #tpu.memory_space<vmem>>
    %dma_start3A_29 = tpu.memref_slice %arg4[%add3A_16] : memref<322560xi32, #tpu.memory_space<hbm>> -> memref<112xi32, #tpu.memory_space<hbm>>
    %dma_start3A_30 = arith.constant 0 : i32
    %dma_start3A_31 = tpu.memref_slice %arg8[%dma_start3A_25, %dma_start3A_30] : memref<6x112xi32, #tpu.memory_space<vmem>> -> memref<1x112xi32, #tpu.memory_space<vmem>>
    %dma_start3A_32 = tpu.memref_squeeze %dma_start3A_31 : memref<1x112xi32, #tpu.memory_space<vmem>> -> memref<112xi32, #tpu.memory_space<vmem>>
    %dma_start3A_33 = tpu.memref_slice %arg4[%add3A_16] : memref<322560xi32, #tpu.memory_space<hbm>> -> memref<112xi32, #tpu.memory_space<hbm>>
    tpu.enqueue_dma source(%dma_start3A_33 : memref<112xi32, #tpu.memory_space<hbm>>) target(%dma_start3A_32 : memref<112xi32, #tpu.memory_space<vmem>>) target_semaphore(%arg10 : memref<!tpu.dma_semaphore, #tpu.memory_space<semaphore_mem>>)
    %add3A_34 = arith.constant 112 : i32
    %add3A_35 = arith.addi %mul3A_2, %add3A_34 : i32
    %add3A_36 = arith.constant 112 : i32
    %add3A_37 = arith.addi %mul3A_2, %add3A_36 : i32
    %dma_start3A_38 = arith.constant 1 : i32
    %dma_start3A_39 = arith.constant 0 : i32
    %dma_start3A_40 = tpu.memref_slice %arg7[%dma_start3A_38, %dma_start3A_39] : memref<6x112xi32, #tpu.memory_space<vmem>> -> memref<1x112xi32, #tpu.memory_space<vmem>>
    %dma_start3A_41 = tpu.memref_squeeze %dma_start3A_40 : memref<1x112xi32, #tpu.memory_space<vmem>> -> memref<112xi32, #tpu.memory_space<vmem>>
    %dma_start3A_42 = tpu.memref_slice %arg3[%add3A_35] : memref<322560xi32, #tpu.memory_space<hbm>> -> memref<112xi32, #tpu.memory_space<hbm>>
    %dma_start3A_43 = arith.constant 0 : i32
    %dma_start3A_44 = tpu.memref_slice %arg7[%dma_start3A_38, %dma_start3A_43] : memref<6x112xi32, #tpu.memory_space<vmem>> -> memref<1x112xi32, #tpu.memory_space<vmem>>
    %dma_start3A_45 = tpu.memref_squeeze %dma_start3A_44 : memref<1x112xi32, #tpu.memory_space<vmem>> -> memref<112xi32, #tpu.memory_space<vmem>>
    %dma_start3A_46 = tpu.memref_slice %arg3[%add3A_35] : memref<322560xi32, #tpu.memory_space<hbm>> -> memref<112xi32, #tpu.memory_space<hbm>>
    tpu.enqueue_dma source(%dma_start3A_46 : memref<112xi32, #tpu.memory_space<hbm>>) target(%dma_start3A_45 : memref<112xi32, #tpu.memory_space<vmem>>) target_semaphore(%arg10 : memref<!tpu.dma_semaphore, #tpu.memory_space<semaphore_mem>>)
    %dma_start3A_47 = arith.constant 1 : i32
    %dma_start3A_48 = arith.constant 0 : i32
    %dma_start3A_49 = tpu.memref_slice %arg8[%dma_start3A_47, %dma_start3A_48] : memref<6x112xi32, #tpu.memory_space<vmem>> -> memref<1x112xi32, #tpu.memory_space<vmem>>
    %dma_start3A_50 = tpu.memref_squeeze %dma_start3A_49 : memref<1x112xi32, #tpu.memory_space<vmem>> -> memref<112xi32, #tpu.memory_space<vmem>>
    %dma_start3A_51 = tpu.memref_slice %arg4[%add3A_37] : memref<322560xi32, #tpu.memory_space<hbm>> -> memref<112xi32, #tpu.memory_space<hbm>>
    %dma_start3A_52 = arith.constant 0 : i32
    %dma_start3A_53 = tpu.memref_slice %arg8[%dma_start3A_47, %dma_start3A_52] : memref<6x112xi32, #tpu.memory_space<vmem>> -> memref<1x112xi32, #tpu.memory_space<vmem>>
    %dma_start3A_54 = tpu.memref_squeeze %dma_start3A_53 : memref<1x112xi32, #tpu.memory_space<vmem>> -> memref<112xi32, #tpu.memory_space<vmem>>
    %dma_start3A_55 = tpu.memref_slice %arg4[%add3A_37] : memref<322560xi32, #tpu.memory_space<hbm>> -> memref<112xi32, #tpu.memory_space<hbm>>
    tpu.enqueue_dma source(%dma_start3A_55 : memref<112xi32, #tpu.memory_space<hbm>>) target(%dma_start3A_54 : memref<112xi32, #tpu.memory_space<vmem>>) target_semaphore(%arg10 : memref<!tpu.dma_semaphore, #tpu.memory_space<semaphore_mem>>)
    %add3A_56 = arith.constant 224 : i32
    %add3A_57 = arith.addi %mul3A_2, %add3A_56 : i32
    %add3A_58 = arith.constant 224 : i32
    %add3A_59 = arith.addi %mul3A_2, %add3A_58 : i32
    %dma_start3A_60 = arith.constant 2 : i32
    %dma_start3A_61 = arith.constant 0 : i32
    %dma_start3A_62 = tpu.memref_slice %arg7[%dma_start3A_60, %dma_start3A_61] : memref<6x112xi32, #tpu.memory_space<vmem>> -> memref<1x112xi32, #tpu.memory_space<vmem>>
    %dma_start3A_63 = tpu.memref_squeeze %dma_start3A_62 : memref<1x112xi32, #tpu.memory_space<vmem>> -> memref<112xi32, #tpu.memory_space<vmem>>
    %dma_start3A_64 = tpu.memref_slice %arg3[%add3A_57] : memref<322560xi32, #tpu.memory_space<hbm>> -> memref<112xi32, #tpu.memory_space<hbm>>
    %dma_start3A_65 = arith.constant 0 : i32
    %dma_start3A_66 = tpu.memref_slice %arg7[%dma_start3A_60, %dma_start3A_65] : memref<6x112xi32, #tpu.memory_space<vmem>> -> memref<1x112xi32, #tpu.memory_space<vmem>>
    %dma_start3A_67 = tpu.memref_squeeze %dma_start3A_66 : memref<1x112xi32, #tpu.memory_space<vmem>> -> memref<112xi32, #tpu.memory_space<vmem>>
    %dma_start3A_68 = tpu.memref_slice %arg3[%add3A_57] : memref<322560xi32, #tpu.memory_space<hbm>> -> memref<112xi32, #tpu.memory_space<hbm>>
    tpu.enqueue_dma source(%dma_start3A_68 : memref<112xi32, #tpu.memory_space<hbm>>) target(%dma_start3A_67 : memref<112xi32, #tpu.memory_space<vmem>>) target_semaphore(%arg10 : memref<!tpu.dma_semaphore, #tpu.memory_space<semaphore_mem>>)
    %dma_start3A_69 = arith.constant 2 : i32
    %dma_start3A_70 = arith.constant 0 : i32
    %dma_start3A_71 = tpu.memref_slice %arg8[%dma_start3A_69, %dma_start3A_70] : memref<6x112xi32, #tpu.memory_space<vmem>> -> memref<1x112xi32, #tpu.memory_space<vmem>>
    %dma_start3A_72 = tpu.memref_squeeze %dma_start3A_71 : memref<1x112xi32, #tpu.memory_space<vmem>> -> memref<112xi32, #tpu.memory_space<vmem>>
    %dma_start3A_73 = tpu.memref_slice %arg4[%add3A_59] : memref<322560xi32, #tpu.memory_space<hbm>> -> memref<112xi32, #tpu.memory_space<hbm>>
    %dma_start3A_74 = arith.constant 0 : i32
    %dma_start3A_75 = tpu.memref_slice %arg8[%dma_start3A_69, %dma_start3A_74] : memref<6x112xi32, #tpu.memory_space<vmem>> -> memref<1x112xi32, #tpu.memory_space<vmem>>
    %dma_start3A_76 = tpu.memref_squeeze %dma_start3A_75 : memref<1x112xi32, #tpu.memory_space<vmem>> -> memref<112xi32, #tpu.memory_space<vmem>>
    %dma_start3A_77 = tpu.memref_slice %arg4[%add3A_59] : memref<322560xi32, #tpu.memory_space<hbm>> -> memref<112xi32, #tpu.memory_space<hbm>>
    tpu.enqueue_dma source(%dma_start3A_77 : memref<112xi32, #tpu.memory_space<hbm>>) target(%dma_start3A_76 : memref<112xi32, #tpu.memory_space<vmem>>) target_semaphore(%arg10 : memref<!tpu.dma_semaphore, #tpu.memory_space<semaphore_mem>>)
    %add3A_78 = arith.constant 336 : i32
    %add3A_79 = arith.addi %mul3A_2, %add3A_78 : i32
    %add3A_80 = arith.constant 336 : i32
    %add3A_81 = arith.addi %mul3A_2, %add3A_80 : i32
    %dma_start3A_82 = arith.constant 3 : i32
    %dma_start3A_83 = arith.constant 0 : i32
    %dma_start3A_84 = tpu.memref_slice %arg7[%dma_start3A_82, %dma_start3A_83] : memref<6x112xi32, #tpu.memory_space<vmem>> -> memref<1x112xi32, #tpu.memory_space<vmem>>
    %dma_start3A_85 = tpu.memref_squeeze %dma_start3A_84 : memref<1x112xi32, #tpu.memory_space<vmem>> -> memref<112xi32, #tpu.memory_space<vmem>>
    %dma_start3A_86 = tpu.memref_slice %arg3[%add3A_79] : memref<322560xi32, #tpu.memory_space<hbm>> -> memref<112xi32, #tpu.memory_space<hbm>>
    %dma_start3A_87 = arith.constant 0 : i32
    %dma_start3A_88 = tpu.memref_slice %arg7[%dma_start3A_82, %dma_start3A_87] : memref<6x112xi32, #tpu.memory_space<vmem>> -> memref<1x112xi32, #tpu.memory_space<vmem>>
    %dma_start3A_89 = tpu.memref_squeeze %dma_start3A_88 : memref<1x112xi32, #tpu.memory_space<vmem>> -> memref<112xi32, #tpu.memory_space<vmem>>
    %dma_start3A_90 = tpu.memref_slice %arg3[%add3A_79] : memref<322560xi32, #tpu.memory_space<hbm>> -> memref<112xi32, #tpu.memory_space<hbm>>
    tpu.enqueue_dma source(%dma_start3A_90 : memref<112xi32, #tpu.memory_space<hbm>>) target(%dma_start3A_89 : memref<112xi32, #tpu.memory_space<vmem>>) target_semaphore(%arg10 : memref<!tpu.dma_semaphore, #tpu.memory_space<semaphore_mem>>)
    %dma_start3A_91 = arith.constant 3 : i32
    %dma_start3A_92 = arith.constant 0 : i32
    %dma_start3A_93 = tpu.memref_slice %arg8[%dma_start3A_91, %dma_start3A_92] : memref<6x112xi32, #tpu.memory_space<vmem>> -> memref<1x112xi32, #tpu.memory_space<vmem>>
    %dma_start3A_94 = tpu.memref_squeeze %dma_start3A_93 : memref<1x112xi32, #tpu.memory_space<vmem>> -> memref<112xi32, #tpu.memory_space<vmem>>
    %dma_start3A_95 = tpu.memref_slice %arg4[%add3A_81] : memref<322560xi32, #tpu.memory_space<hbm>> -> memref<112xi32, #tpu.memory_space<hbm>>
    %dma_start3A_96 = arith.constant 0 : i32
    %dma_start3A_97 = tpu.memref_slice %arg8[%dma_start3A_91, %dma_start3A_96] : memref<6x112xi32, #tpu.memory_space<vmem>> -> memref<1x112xi32, #tpu.memory_space<vmem>>
    %dma_start3A_98 = tpu.memref_squeeze %dma_start3A_97 : memref<1x112xi32, #tpu.memory_space<vmem>> -> memref<112xi32, #tpu.memory_space<vmem>>
    %dma_start3A_99 = tpu.memref_slice %arg4[%add3A_81] : memref<322560xi32, #tpu.memory_space<hbm>> -> memref<112xi32, #tpu.memory_space<hbm>>
    tpu.enqueue_dma source(%dma_start3A_99 : memref<112xi32, #tpu.memory_space<hbm>>) target(%dma_start3A_98 : memref<112xi32, #tpu.memory_space<vmem>>) target_semaphore(%arg10 : memref<!tpu.dma_semaphore, #tpu.memory_space<semaphore_mem>>)
    %add3A_100 = arith.constant 448 : i32
    %add3A_101 = arith.addi %mul3A_2, %add3A_100 : i32
    %add3A_102 = arith.constant 448 : i32
    %add3A_103 = arith.addi %mul3A_2, %add3A_102 : i32
    %dma_start3A_104 = arith.constant 4 : i32
    %dma_start3A_105 = arith.constant 0 : i32
    %dma_start3A_106 = tpu.memref_slice %arg7[%dma_start3A_104, %dma_start3A_105] : memref<6x112xi32, #tpu.memory_space<vmem>> -> memref<1x112xi32, #tpu.memory_space<vmem>>
    %dma_start3A_107 = tpu.memref_squeeze %dma_start3A_106 : memref<1x112xi32, #tpu.memory_space<vmem>> -> memref<112xi32, #tpu.memory_space<vmem>>
    %dma_start3A_108 = tpu.memref_slice %arg3[%add3A_101] : memref<322560xi32, #tpu.memory_space<hbm>> -> memref<112xi32, #tpu.memory_space<hbm>>
    %dma_start3A_109 = arith.constant 0 : i32
    %dma_start3A_110 = tpu.memref_slice %arg7[%dma_start3A_104, %dma_start3A_109] : memref<6x112xi32, #tpu.memory_space<vmem>> -> memref<1x112xi32, #tpu.memory_space<vmem>>
    %dma_start3A_111 = tpu.memref_squeeze %dma_start3A_110 : memref<1x112xi32, #tpu.memory_space<vmem>> -> memref<112xi32, #tpu.memory_space<vmem>>
    %dma_start3A_112 = tpu.memref_slice %arg3[%add3A_101] : memref<322560xi32, #tpu.memory_space<hbm>> -> memref<112xi32, #tpu.memory_space<hbm>>
    tpu.enqueue_dma source(%dma_start3A_112 : memref<112xi32, #tpu.memory_space<hbm>>) target(%dma_start3A_111 : memref<112xi32, #tpu.memory_space<vmem>>) target_semaphore(%arg10 : memref<!tpu.dma_semaphore, #tpu.memory_space<semaphore_mem>>)
    %dma_start3A_113 = arith.constant 4 : i32
    %dma_start3A_114 = arith.constant 0 : i32
    %dma_start3A_115 = tpu.memref_slice %arg8[%dma_start3A_113, %dma_start3A_114] : memref<6x112xi32, #tpu.memory_space<vmem>> -> memref<1x112xi32, #tpu.memory_space<vmem>>
    %dma_start3A_116 = tpu.memref_squeeze %dma_start3A_115 : memref<1x112xi32, #tpu.memory_space<vmem>> -> memref<112xi32, #tpu.memory_space<vmem>>
    %dma_start3A_117 = tpu.memref_slice %arg4[%add3A_103] : memref<322560xi32, #tpu.memory_space<hbm>> -> memref<112xi32, #tpu.memory_space<hbm>>
    %dma_start3A_118 = arith.constant 0 : i32
    %dma_start3A_119 = tpu.memref_slice %arg8[%dma_start3A_113, %dma_start3A_118] : memref<6x112xi32, #tpu.memory_space<vmem>> -> memref<1x112xi32, #tpu.memory_space<vmem>>
    %dma_start3A_120 = tpu.memref_squeeze %dma_start3A_119 : memref<1x112xi32, #tpu.memory_space<vmem>> -> memref<112xi32, #tpu.memory_space<vmem>>
    %dma_start3A_121 = tpu.memref_slice %arg4[%add3A_103] : memref<322560xi32, #tpu.memory_space<hbm>> -> memref<112xi32, #tpu.memory_space<hbm>>
    tpu.enqueue_dma source(%dma_start3A_121 : memref<112xi32, #tpu.memory_space<hbm>>) target(%dma_start3A_120 : memref<112xi32, #tpu.memory_space<vmem>>) target_semaphore(%arg10 : memref<!tpu.dma_semaphore, #tpu.memory_space<semaphore_mem>>)
    %add3A_122 = arith.constant 560 : i32
    %add3A_123 = arith.addi %mul3A_2, %add3A_122 : i32
    %add3A_124 = arith.constant 560 : i32
    %add3A_125 = arith.addi %mul3A_2, %add3A_124 : i32
    %dma_start3A_126 = arith.constant 5 : i32
    %dma_start3A_127 = arith.constant 0 : i32
    %dma_start3A_128 = tpu.memref_slice %arg7[%dma_start3A_126, %dma_start3A_127] : memref<6x112xi32, #tpu.memory_space<vmem>> -> memref<1x112xi32, #tpu.memory_space<vmem>>
    %dma_start3A_129 = tpu.memref_squeeze %dma_start3A_128 : memref<1x112xi32, #tpu.memory_space<vmem>> -> memref<112xi32, #tpu.memory_space<vmem>>
    %dma_start3A_130 = tpu.memref_slice %arg3[%add3A_123] : memref<322560xi32, #tpu.memory_space<hbm>> -> memref<112xi32, #tpu.memory_space<hbm>>
    %dma_start3A_131 = arith.constant 0 : i32
    %dma_start3A_132 = tpu.memref_slice %arg7[%dma_start3A_126, %dma_start3A_131] : memref<6x112xi32, #tpu.memory_space<vmem>> -> memref<1x112xi32, #tpu.memory_space<vmem>>
    %dma_start3A_133 = tpu.memref_squeeze %dma_start3A_132 : memref<1x112xi32, #tpu.memory_space<vmem>> -> memref<112xi32, #tpu.memory_space<vmem>>
    %dma_start3A_134 = tpu.memref_slice %arg3[%add3A_123] : memref<322560xi32, #tpu.memory_space<hbm>> -> memref<112xi32, #tpu.memory_space<hbm>>
    tpu.enqueue_dma source(%dma_start3A_134 : memref<112xi32, #tpu.memory_space<hbm>>) target(%dma_start3A_133 : memref<112xi32, #tpu.memory_space<vmem>>) target_semaphore(%arg10 : memref<!tpu.dma_semaphore, #tpu.memory_space<semaphore_mem>>)
    %dma_start3A_135 = arith.constant 5 : i32
    %dma_start3A_136 = arith.constant 0 : i32
    %dma_start3A_137 = tpu.memref_slice %arg8[%dma_start3A_135, %dma_start3A_136] : memref<6x112xi32, #tpu.memory_space<vmem>> -> memref<1x112xi32, #tpu.memory_space<vmem>>
    %dma_start3A_138 = tpu.memref_squeeze %dma_start3A_137 : memref<1x112xi32, #tpu.memory_space<vmem>> -> memref<112xi32, #tpu.memory_space<vmem>>
    %dma_start3A_139 = tpu.memref_slice %arg4[%add3A_125] : memref<322560xi32, #tpu.memory_space<hbm>> -> memref<112xi32, #tpu.memory_space<hbm>>
    %dma_start3A_140 = arith.constant 0 : i32
    %dma_start3A_141 = tpu.memref_slice %arg8[%dma_start3A_135, %dma_start3A_140] : memref<6x112xi32, #tpu.memory_space<vmem>> -> memref<1x112xi32, #tpu.memory_space<vmem>>
    %dma_start3A_142 = tpu.memref_squeeze %dma_start3A_141 : memref<1x112xi32, #tpu.memory_space<vmem>> -> memref<112xi32, #tpu.memory_space<vmem>>
    %dma_start3A_143 = tpu.memref_slice %arg4[%add3A_125] : memref<322560xi32, #tpu.memory_space<hbm>> -> memref<112xi32, #tpu.memory_space<hbm>>
    tpu.enqueue_dma source(%dma_start3A_143 : memref<112xi32, #tpu.memory_space<hbm>>) target(%dma_start3A_142 : memref<112xi32, #tpu.memory_space<vmem>>) target_semaphore(%arg10 : memref<!tpu.dma_semaphore, #tpu.memory_space<semaphore_mem>>)
    %scan3A_144 = arith.constant 0 : i32
    %scan3A_145 = arith.constant 15 : i32
    %scan3A_146 = arith.addi %scan3A_144, %scan3A_145 : i32
    %scan3A_147 = arith.constant 1 : i32
    scf.for %scan3A_202 = %scan3A_144 to %scan3A_146 step %scan3A_147  : i32 {
      %mul3A_203 = arith.constant 6 : i32
      %mul3A_204 = arith.muli %scan3A_202, %mul3A_203 : i32
      %add3A_205 = arith.constant 0 : i32
      %add3A_206 = arith.addi %add3A_205, %mul3A_204 : i32
      %add3A_207 = arith.constant 0 : i32
      %add3A_208 = arith.addi %add3A_206, %add3A_207 : i32
      %mul3A_209 = arith.constant 112 : i32
      %mul3A_210 = arith.muli %add3A_208, %mul3A_209 : i32
      %add3A_211 = arith.addi %mul3A_2, %mul3A_210 : i32
      %mul3A_212 = arith.constant 112 : i32
      %mul3A_213 = arith.muli %add3A_208, %mul3A_212 : i32
      %add3A_214 = arith.addi %mul3A_2, %mul3A_213 : i32
      %dma_wait3A_215 = arith.constant 0 : i32
      %dma_wait3A_216 = arith.constant 0 : i32
      %dma_wait3A_217 = tpu.memref_slice %arg7[%dma_wait3A_215, %dma_wait3A_216] : memref<6x112xi32, #tpu.memory_space<vmem>> -> memref<1x112xi32, #tpu.memory_space<vmem>>
      %dma_wait3A_218 = tpu.memref_squeeze %dma_wait3A_217 : memref<1x112xi32, #tpu.memory_space<vmem>> -> memref<112xi32, #tpu.memory_space<vmem>>
      %dma_wait3A_219 = tpu.memref_slice %arg3[%add3A_211] : memref<322560xi32, #tpu.memory_space<hbm>> -> memref<112xi32, #tpu.memory_space<hbm>>
      %dma_wait3A_220 = arith.constant 0 : i32
      %dma_wait3A_221 = tpu.memref_slice %arg7[%dma_wait3A_215, %dma_wait3A_220] : memref<6x112xi32, #tpu.memory_space<vmem>> -> memref<1x112xi32, #tpu.memory_space<vmem>>
      %dma_wait3A_222 = tpu.memref_squeeze %dma_wait3A_221 : memref<1x112xi32, #tpu.memory_space<vmem>> -> memref<112xi32, #tpu.memory_space<vmem>>
      %dma_wait3A_223 = tpu.memref_slice %arg3[%add3A_211] : memref<322560xi32, #tpu.memory_space<hbm>> -> memref<112xi32, #tpu.memory_space<hbm>>
      tpu.wait_dma2 semaphore(%arg10 : memref<!tpu.dma_semaphore, #tpu.memory_space<semaphore_mem>>) src(%dma_wait3A_223 : memref<112xi32, #tpu.memory_space<hbm>>) dst(%dma_wait3A_222 : memref<112xi32, #tpu.memory_space<vmem>>)
      %dma_wait3A_224 = arith.constant 0 : i32
      %dma_wait3A_225 = arith.constant 0 : i32
      %dma_wait3A_226 = tpu.memref_slice %arg8[%dma_wait3A_224, %dma_wait3A_225] : memref<6x112xi32, #tpu.memory_space<vmem>> -> memref<1x112xi32, #tpu.memory_space<vmem>>
      %dma_wait3A_227 = tpu.memref_squeeze %dma_wait3A_226 : memref<1x112xi32, #tpu.memory_space<vmem>> -> memref<112xi32, #tpu.memory_space<vmem>>
      %dma_wait3A_228 = tpu.memref_slice %arg4[%add3A_214] : memref<322560xi32, #tpu.memory_space<hbm>> -> memref<112xi32, #tpu.memory_space<hbm>>
      %dma_wait3A_229 = arith.constant 0 : i32
      %dma_wait3A_230 = tpu.memref_slice %arg8[%dma_wait3A_224, %dma_wait3A_229] : memref<6x112xi32, #tpu.memory_space<vmem>> -> memref<1x112xi32, #tpu.memory_space<vmem>>
      %dma_wait3A_231 = tpu.memref_squeeze %dma_wait3A_230 : memref<1x112xi32, #tpu.memory_space<vmem>> -> memref<112xi32, #tpu.memory_space<vmem>>
      %dma_wait3A_232 = tpu.memref_slice %arg4[%add3A_214] : memref<322560xi32, #tpu.memory_space<hbm>> -> memref<112xi32, #tpu.memory_space<hbm>>
      tpu.wait_dma2 semaphore(%arg10 : memref<!tpu.dma_semaphore, #tpu.memory_space<semaphore_mem>>) src(%dma_wait3A_232 : memref<112xi32, #tpu.memory_space<hbm>>) dst(%dma_wait3A_231 : memref<112xi32, #tpu.memory_space<vmem>>)
      %dma_start3A_233 = arith.constant 0 : i32
      %dma_start3A_234 = arith.constant 0 : i32
      %dma_start3A_235 = arith.constant 0 : i32
      %dma_start3A_236 = arith.constant 0 : i32
      %dma_start3A_237 = tpu.memref_slice %arg9[%dma_start3A_234, %dma_start3A_235, %dma_start3A_236] : memref<3x112x128xf32, #tpu.memory_space<vmem>> -> memref<1x112x128xf32, #tpu.memory_space<vmem>>
      %dma_start3A_238 = tpu.memref_squeeze %dma_start3A_237 : memref<1x112x128xf32, #tpu.memory_space<vmem>> -> memref<112x128xf32, #tpu.memory_space<vmem>>
      %dma_start3A_239 = arith.constant 0 : i32
      %dma_start3A_240 = tpu.memref_slice %arg7[%dma_start3A_233, %dma_start3A_239] : memref<6x112xi32, #tpu.memory_space<vmem>> -> memref<1x112xi32, #tpu.memory_space<vmem>>
      %dma_start3A_241 = tpu.memref_squeeze %dma_start3A_240 : memref<1x112xi32, #tpu.memory_space<vmem>> -> memref<112xi32, #tpu.memory_space<vmem>>
      %dma_start3A_242 = arith.constant 0 : i32
      %dma_start3A_243 = arith.constant 0 : i32
      %dma_start3A_244 = tpu.memref_slice %arg2[%dma_start3A_242, %dma_start3A_243] : memref<10000x128xf32, #tpu.memory_space<hbm>> -> memref<10000x128xf32, #tpu.memory_space<hbm>>
      tpu.enqueue_indirect_dma source(%dma_start3A_244 : memref<10000x128xf32, #tpu.memory_space<hbm>>) target(%dma_start3A_238 : memref<112x128xf32, #tpu.memory_space<vmem>>) offsets(%dma_start3A_241 : memref<112xi32, #tpu.memory_space<vmem>>) semaphore(%arg11 : memref<!tpu.dma_semaphore, #tpu.memory_space<semaphore_mem>>)
      %ge3A = arith.constant 1 : i32
      %ge3A_245 = arith.cmpi sge, %add3A_208, %ge3A : i32
      %convert_element_type3A = arith.extui %ge3A_245 : i1 to i32
      %cond3A = arith.constant 0 : i32
      %cond3A_246 = arith.cmpi ne, %convert_element_type3A, %cond3A : i32
      scf.if %cond3A_246 {
        %sub3A = arith.constant 1 : i32
        %sub3A_492 = arith.subi %add3A_208, %sub3A : i32
        %dma_wait3A_493 = arith.constant 5 : i32
        %dma_wait3A_494 = arith.constant 2 : i32
        %dma_wait3A_495 = arith.constant 0 : i32
        %dma_wait3A_496 = arith.constant 0 : i32
        %dma_wait3A_497 = tpu.memref_slice %arg9[%dma_wait3A_494, %dma_wait3A_495, %dma_wait3A_496] : memref<3x112x128xf32, #tpu.memory_space<vmem>> -> memref<1x112x128xf32, #tpu.memory_space<vmem>>
        %dma_wait3A_498 = tpu.memref_squeeze %dma_wait3A_497 : memref<1x112x128xf32, #tpu.memory_space<vmem>> -> memref<112x128xf32, #tpu.memory_space<vmem>>
        %dma_wait3A_499 = arith.constant 0 : i32
        %dma_wait3A_500 = tpu.memref_slice %arg7[%dma_wait3A_493, %dma_wait3A_499] : memref<6x112xi32, #tpu.memory_space<vmem>> -> memref<1x112xi32, #tpu.memory_space<vmem>>
        %dma_wait3A_501 = tpu.memref_squeeze %dma_wait3A_500 : memref<1x112xi32, #tpu.memory_space<vmem>> -> memref<112xi32, #tpu.memory_space<vmem>>
        %dma_wait3A_502 = arith.constant 0 : i32
        %dma_wait3A_503 = arith.constant 0 : i32
        %dma_wait3A_504 = tpu.memref_slice %arg2[%dma_wait3A_502, %dma_wait3A_503] : memref<10000x128xf32, #tpu.memory_space<hbm>> -> memref<10000x128xf32, #tpu.memory_space<hbm>>
        tpu.wait_indirect_dma semaphore(%arg11 : memref<!tpu.dma_semaphore, #tpu.memory_space<semaphore_mem>>) src(%dma_wait3A_504 : memref<10000x128xf32, #tpu.memory_space<hbm>>) dst(%dma_wait3A_498 : memref<112x128xf32, #tpu.memory_space<vmem>>)
        %dma_start3A_505 = arith.constant 2 : i32
        %dma_start3A_506 = arith.constant 5 : i32
        %dma_start3A_507 = arith.constant 0 : i32
        %dma_start3A_508 = arith.constant 0 : i32
        %dma_start3A_509 = tpu.memref_slice %arg9[%dma_start3A_505, %dma_start3A_507, %dma_start3A_508] : memref<3x112x128xf32, #tpu.memory_space<vmem>> -> memref<1x112x128xf32, #tpu.memory_space<vmem>>
        %dma_start3A_510 = tpu.memref_squeeze %dma_start3A_509 : memref<1x112x128xf32, #tpu.memory_space<vmem>> -> memref<112x128xf32, #tpu.memory_space<vmem>>
        %dma_start3A_511 = arith.constant 0 : i32
        %dma_start3A_512 = tpu.memref_slice %arg8[%dma_start3A_506, %dma_start3A_511] : memref<6x112xi32, #tpu.memory_space<vmem>> -> memref<1x112xi32, #tpu.memory_space<vmem>>
        %dma_start3A_513 = tpu.memref_squeeze %dma_start3A_512 : memref<1x112xi32, #tpu.memory_space<vmem>> -> memref<112xi32, #tpu.memory_space<vmem>>
        %dma_start3A_514 = arith.constant 0 : i32
        %dma_start3A_515 = arith.constant 0 : i32
        %dma_start3A_516 = tpu.memref_slice %arg6[%dma_start3A_514, %dma_start3A_515] : memref<10240x128xf32, #tpu.memory_space<vmem_shared>> -> memref<10240x128xf32, #tpu.memory_space<vmem_shared>>
        tpu.enqueue_indirect_dma source(%dma_start3A_510 : memref<112x128xf32, #tpu.memory_space<vmem>>) target(%dma_start3A_516 : memref<10240x128xf32, #tpu.memory_space<vmem_shared>>) offsets(%dma_start3A_513 : memref<112xi32, #tpu.memory_space<vmem>>) semaphore(%arg12 : memref<!tpu.dma_semaphore, #tpu.memory_space<semaphore_mem>>) {add = true}
      } else {
      }
      %ge3A_247 = arith.constant 2 : i32
      %ge3A_248 = arith.cmpi sge, %add3A_208, %ge3A_247 : i32
      %convert_element_type3A_249 = arith.extui %ge3A_248 : i1 to i32
      %cond3A_250 = arith.constant 0 : i32
      %cond3A_251 = arith.cmpi ne, %convert_element_type3A_249, %cond3A_250 : i32
      scf.if %cond3A_251 {
        %sub3A = arith.constant 2 : i32
        %sub3A_492 = arith.subi %add3A_208, %sub3A : i32
        %dma_wait3A_493 = arith.constant 1 : i32
        %dma_wait3A_494 = arith.constant 4 : i32
        %dma_wait3A_495 = arith.constant 0 : i32
        %dma_wait3A_496 = arith.constant 0 : i32
        %dma_wait3A_497 = tpu.memref_slice %arg9[%dma_wait3A_493, %dma_wait3A_495, %dma_wait3A_496] : memref<3x112x128xf32, #tpu.memory_space<vmem>> -> memref<1x112x128xf32, #tpu.memory_space<vmem>>
        %dma_wait3A_498 = tpu.memref_squeeze %dma_wait3A_497 : memref<1x112x128xf32, #tpu.memory_space<vmem>> -> memref<112x128xf32, #tpu.memory_space<vmem>>
        %dma_wait3A_499 = arith.constant 0 : i32
        %dma_wait3A_500 = tpu.memref_slice %arg8[%dma_wait3A_494, %dma_wait3A_499] : memref<6x112xi32, #tpu.memory_space<vmem>> -> memref<1x112xi32, #tpu.memory_space<vmem>>
        %dma_wait3A_501 = tpu.memref_squeeze %dma_wait3A_500 : memref<1x112xi32, #tpu.memory_space<vmem>> -> memref<112xi32, #tpu.memory_space<vmem>>
        %dma_wait3A_502 = arith.constant 0 : i32
        %dma_wait3A_503 = arith.constant 0 : i32
        %dma_wait3A_504 = tpu.memref_slice %arg6[%dma_wait3A_502, %dma_wait3A_503] : memref<10240x128xf32, #tpu.memory_space<vmem_shared>> -> memref<10240x128xf32, #tpu.memory_space<vmem_shared>>
        tpu.wait_indirect_dma semaphore(%arg12 : memref<!tpu.dma_semaphore, #tpu.memory_space<semaphore_mem>>) src(%dma_wait3A_498 : memref<112x128xf32, #tpu.memory_space<vmem>>) dst(%dma_wait3A_504 : memref<10240x128xf32, #tpu.memory_space<vmem_shared>>)
        %add3A_505 = arith.constant 6 : i32
        %add3A_506 = arith.addi %add3A_208, %add3A_505 : i32
        %sub3A_507 = arith.constant 2 : i32
        %sub3A_508 = arith.subi %add3A_506, %sub3A_507 : i32
        %lt3A = arith.constant 90 : i32
        %lt3A_509 = arith.cmpi slt, %sub3A_508, %lt3A : i32
        %convert_element_type3A_510 = arith.extui %lt3A_509 : i1 to i32
        %cond3A_511 = arith.constant 0 : i32
        %cond3A_512 = arith.cmpi ne, %convert_element_type3A_510, %cond3A_511 : i32
        scf.if %cond3A_512 {
          %add3A_513 = arith.constant 6 : i32
          %add3A_514 = arith.addi %add3A_208, %add3A_513 : i32
          %sub3A_515 = arith.constant 2 : i32
          %sub3A_516 = arith.subi %add3A_514, %sub3A_515 : i32
          %mul3A_517 = arith.constant 112 : i32
          %mul3A_518 = arith.muli %sub3A_516, %mul3A_517 : i32
          %add3A_519 = arith.addi %mul3A_2, %mul3A_518 : i32
          %mul3A_520 = arith.constant 112 : i32
          %mul3A_521 = arith.muli %sub3A_516, %mul3A_520 : i32
          %add3A_522 = arith.addi %mul3A_2, %mul3A_521 : i32
          %dma_start3A_523 = arith.constant 4 : i32
          %dma_start3A_524 = arith.constant 0 : i32
          %dma_start3A_525 = tpu.memref_slice %arg7[%dma_start3A_523, %dma_start3A_524] : memref<6x112xi32, #tpu.memory_space<vmem>> -> memref<1x112xi32, #tpu.memory_space<vmem>>
          %dma_start3A_526 = tpu.memref_squeeze %dma_start3A_525 : memref<1x112xi32, #tpu.memory_space<vmem>> -> memref<112xi32, #tpu.memory_space<vmem>>
          %dma_start3A_527 = tpu.memref_slice %arg3[%add3A_519] : memref<322560xi32, #tpu.memory_space<hbm>> -> memref<112xi32, #tpu.memory_space<hbm>>
          %dma_start3A_528 = arith.constant 0 : i32
          %dma_start3A_529 = tpu.memref_slice %arg7[%dma_start3A_523, %dma_start3A_528] : memref<6x112xi32, #tpu.memory_space<vmem>> -> memref<1x112xi32, #tpu.memory_space<vmem>>
          %dma_start3A_530 = tpu.memref_squeeze %dma_start3A_529 : memref<1x112xi32, #tpu.memory_space<vmem>> -> memref<112xi32, #tpu.memory_space<vmem>>
          %dma_start3A_531 = tpu.memref_slice %arg3[%add3A_519] : memref<322560xi32, #tpu.memory_space<hbm>> -> memref<112xi32, #tpu.memory_space<hbm>>
          tpu.enqueue_dma source(%dma_start3A_531 : memref<112xi32, #tpu.memory_space<hbm>>) target(%dma_start3A_530 : memref<112xi32, #tpu.memory_space<vmem>>) target_semaphore(%arg10 : memref<!tpu.dma_semaphore, #tpu.memory_space<semaphore_mem>>)
          %dma_start3A_532 = arith.constant 4 : i32
          %dma_start3A_533 = arith.constant 0 : i32
          %dma_start3A_534 = tpu.memref_slice %arg8[%dma_start3A_532, %dma_start3A_533] : memref<6x112xi32, #tpu.memory_space<vmem>> -> memref<1x112xi32, #tpu.memory_space<vmem>>
          %dma_start3A_535 = tpu.memref_squeeze %dma_start3A_534 : memref<1x112xi32, #tpu.memory_space<vmem>> -> memref<112xi32, #tpu.memory_space<vmem>>
          %dma_start3A_536 = tpu.memref_slice %arg4[%add3A_522] : memref<322560xi32, #tpu.memory_space<hbm>> -> memref<112xi32, #tpu.memory_space<hbm>>
          %dma_start3A_537 = arith.constant 0 : i32
          %dma_start3A_538 = tpu.memref_slice %arg8[%dma_start3A_532, %dma_start3A_537] : memref<6x112xi32, #tpu.memory_space<vmem>> -> memref<1x112xi32, #tpu.memory_space<vmem>>
          %dma_start3A_539 = tpu.memref_squeeze %dma_start3A_538 : memref<1x112xi32, #tpu.memory_space<vmem>> -> memref<112xi32, #tpu.memory_space<vmem>>
          %dma_start3A_540 = tpu.memref_slice %arg4[%add3A_522] : memref<322560xi32, #tpu.memory_space<hbm>> -> memref<112xi32, #tpu.memory_space<hbm>>
          tpu.enqueue_dma source(%dma_start3A_540 : memref<112xi32, #tpu.memory_space<hbm>>) target(%dma_start3A_539 : memref<112xi32, #tpu.memory_space<vmem>>) target_semaphore(%arg10 : memref<!tpu.dma_semaphore, #tpu.memory_space<semaphore_mem>>)
        } else {
        }
      } else {
      }
      %add3A_252 = arith.constant 1 : i32
      %add3A_253 = arith.addi %add3A_206, %add3A_252 : i32
      %mul3A_254 = arith.constant 112 : i32
      %mul3A_255 = arith.muli %add3A_253, %mul3A_254 : i32
      %add3A_256 = arith.addi %mul3A_2, %mul3A_255 : i32
      %mul3A_257 = arith.constant 112 : i32
      %mul3A_258 = arith.muli %add3A_253, %mul3A_257 : i32
      %add3A_259 = arith.addi %mul3A_2, %mul3A_258 : i32
      %dma_wait3A_260 = arith.constant 1 : i32
      %dma_wait3A_261 = arith.constant 0 : i32
      %dma_wait3A_262 = tpu.memref_slice %arg7[%dma_wait3A_260, %dma_wait3A_261] : memref<6x112xi32, #tpu.memory_space<vmem>> -> memref<1x112xi32, #tpu.memory_space<vmem>>
      %dma_wait3A_263 = tpu.memref_squeeze %dma_wait3A_262 : memref<1x112xi32, #tpu.memory_space<vmem>> -> memref<112xi32, #tpu.memory_space<vmem>>
      %dma_wait3A_264 = tpu.memref_slice %arg3[%add3A_256] : memref<322560xi32, #tpu.memory_space<hbm>> -> memref<112xi32, #tpu.memory_space<hbm>>
      %dma_wait3A_265 = arith.constant 0 : i32
      %dma_wait3A_266 = tpu.memref_slice %arg7[%dma_wait3A_260, %dma_wait3A_265] : memref<6x112xi32, #tpu.memory_space<vmem>> -> memref<1x112xi32, #tpu.memory_space<vmem>>
      %dma_wait3A_267 = tpu.memref_squeeze %dma_wait3A_266 : memref<1x112xi32, #tpu.memory_space<vmem>> -> memref<112xi32, #tpu.memory_space<vmem>>
      %dma_wait3A_268 = tpu.memref_slice %arg3[%add3A_256] : memref<322560xi32, #tpu.memory_space<hbm>> -> memref<112xi32, #tpu.memory_space<hbm>>
      tpu.wait_dma2 semaphore(%arg10 : memref<!tpu.dma_semaphore, #tpu.memory_space<semaphore_mem>>) src(%dma_wait3A_268 : memref<112xi32, #tpu.memory_space<hbm>>) dst(%dma_wait3A_267 : memref<112xi32, #tpu.memory_space<vmem>>)
      %dma_wait3A_269 = arith.constant 1 : i32
      %dma_wait3A_270 = arith.constant 0 : i32
      %dma_wait3A_271 = tpu.memref_slice %arg8[%dma_wait3A_269, %dma_wait3A_270] : memref<6x112xi32, #tpu.memory_space<vmem>> -> memref<1x112xi32, #tpu.memory_space<vmem>>
      %dma_wait3A_272 = tpu.memref_squeeze %dma_wait3A_271 : memref<1x112xi32, #tpu.memory_space<vmem>> -> memref<112xi32, #tpu.memory_space<vmem>>
      %dma_wait3A_273 = tpu.memref_slice %arg4[%add3A_259] : memref<322560xi32, #tpu.memory_space<hbm>> -> memref<112xi32, #tpu.memory_space<hbm>>
      %dma_wait3A_274 = arith.constant 0 : i32
      %dma_wait3A_275 = tpu.memref_slice %arg8[%dma_wait3A_269, %dma_wait3A_274] : memref<6x112xi32, #tpu.memory_space<vmem>> -> memref<1x112xi32, #tpu.memory_space<vmem>>
      %dma_wait3A_276 = tpu.memref_squeeze %dma_wait3A_275 : memref<1x112xi32, #tpu.memory_space<vmem>> -> memref<112xi32, #tpu.memory_space<vmem>>
      %dma_wait3A_277 = tpu.memref_slice %arg4[%add3A_259] : memref<322560xi32, #tpu.memory_space<hbm>> -> memref<112xi32, #tpu.memory_space<hbm>>
      tpu.wait_dma2 semaphore(%arg10 : memref<!tpu.dma_semaphore, #tpu.memory_space<semaphore_mem>>) src(%dma_wait3A_277 : memref<112xi32, #tpu.memory_space<hbm>>) dst(%dma_wait3A_276 : memref<112xi32, #tpu.memory_space<vmem>>)
      %dma_start3A_278 = arith.constant 1 : i32
      %dma_start3A_279 = arith.constant 1 : i32
      %dma_start3A_280 = arith.constant 0 : i32
      %dma_start3A_281 = arith.constant 0 : i32
      %dma_start3A_282 = tpu.memref_slice %arg9[%dma_start3A_279, %dma_start3A_280, %dma_start3A_281] : memref<3x112x128xf32, #tpu.memory_space<vmem>> -> memref<1x112x128xf32, #tpu.memory_space<vmem>>
      %dma_start3A_283 = tpu.memref_squeeze %dma_start3A_282 : memref<1x112x128xf32, #tpu.memory_space<vmem>> -> memref<112x128xf32, #tpu.memory_space<vmem>>
      %dma_start3A_284 = arith.constant 0 : i32
      %dma_start3A_285 = tpu.memref_slice %arg7[%dma_start3A_278, %dma_start3A_284] : memref<6x112xi32, #tpu.memory_space<vmem>> -> memref<1x112xi32, #tpu.memory_space<vmem>>
      %dma_start3A_286 = tpu.memref_squeeze %dma_start3A_285 : memref<1x112xi32, #tpu.memory_space<vmem>> -> memref<112xi32, #tpu.memory_space<vmem>>
      %dma_start3A_287 = arith.constant 0 : i32
      %dma_start3A_288 = arith.constant 0 : i32
      %dma_start3A_289 = tpu.memref_slice %arg2[%dma_start3A_287, %dma_start3A_288] : memref<10000x128xf32, #tpu.memory_space<hbm>> -> memref<10000x128xf32, #tpu.memory_space<hbm>>
      tpu.enqueue_indirect_dma source(%dma_start3A_289 : memref<10000x128xf32, #tpu.memory_space<hbm>>) target(%dma_start3A_283 : memref<112x128xf32, #tpu.memory_space<vmem>>) offsets(%dma_start3A_286 : memref<112xi32, #tpu.memory_space<vmem>>) semaphore(%arg11 : memref<!tpu.dma_semaphore, #tpu.memory_space<semaphore_mem>>)
      %ge3A_290 = arith.constant 1 : i32
      %ge3A_291 = arith.cmpi sge, %add3A_253, %ge3A_290 : i32
      %convert_element_type3A_292 = arith.extui %ge3A_291 : i1 to i32
      %cond3A_293 = arith.constant 0 : i32
      %cond3A_294 = arith.cmpi ne, %convert_element_type3A_292, %cond3A_293 : i32
      scf.if %cond3A_294 {
        %sub3A = arith.constant 1 : i32
        %sub3A_492 = arith.subi %add3A_253, %sub3A : i32
        %dma_wait3A_493 = arith.constant 0 : i32
        %dma_wait3A_494 = arith.constant 0 : i32
        %dma_wait3A_495 = arith.constant 0 : i32
        %dma_wait3A_496 = arith.constant 0 : i32
        %dma_wait3A_497 = tpu.memref_slice %arg9[%dma_wait3A_494, %dma_wait3A_495, %dma_wait3A_496] : memref<3x112x128xf32, #tpu.memory_space<vmem>> -> memref<1x112x128xf32, #tpu.memory_space<vmem>>
        %dma_wait3A_498 = tpu.memref_squeeze %dma_wait3A_497 : memref<1x112x128xf32, #tpu.memory_space<vmem>> -> memref<112x128xf32, #tpu.memory_space<vmem>>
        %dma_wait3A_499 = arith.constant 0 : i32
        %dma_wait3A_500 = tpu.memref_slice %arg7[%dma_wait3A_493, %dma_wait3A_499] : memref<6x112xi32, #tpu.memory_space<vmem>> -> memref<1x112xi32, #tpu.memory_space<vmem>>
        %dma_wait3A_501 = tpu.memref_squeeze %dma_wait3A_500 : memref<1x112xi32, #tpu.memory_space<vmem>> -> memref<112xi32, #tpu.memory_space<vmem>>
        %dma_wait3A_502 = arith.constant 0 : i32
        %dma_wait3A_503 = arith.constant 0 : i32
        %dma_wait3A_504 = tpu.memref_slice %arg2[%dma_wait3A_502, %dma_wait3A_503] : memref<10000x128xf32, #tpu.memory_space<hbm>> -> memref<10000x128xf32, #tpu.memory_space<hbm>>
        tpu.wait_indirect_dma semaphore(%arg11 : memref<!tpu.dma_semaphore, #tpu.memory_space<semaphore_mem>>) src(%dma_wait3A_504 : memref<10000x128xf32, #tpu.memory_space<hbm>>) dst(%dma_wait3A_498 : memref<112x128xf32, #tpu.memory_space<vmem>>)
        %dma_start3A_505 = arith.constant 0 : i32
        %dma_start3A_506 = arith.constant 0 : i32
        %dma_start3A_507 = arith.constant 0 : i32
        %dma_start3A_508 = arith.constant 0 : i32
        %dma_start3A_509 = tpu.memref_slice %arg9[%dma_start3A_505, %dma_start3A_507, %dma_start3A_508] : memref<3x112x128xf32, #tpu.memory_space<vmem>> -> memref<1x112x128xf32, #tpu.memory_space<vmem>>
        %dma_start3A_510 = tpu.memref_squeeze %dma_start3A_509 : memref<1x112x128xf32, #tpu.memory_space<vmem>> -> memref<112x128xf32, #tpu.memory_space<vmem>>
        %dma_start3A_511 = arith.constant 0 : i32
        %dma_start3A_512 = tpu.memref_slice %arg8[%dma_start3A_506, %dma_start3A_511] : memref<6x112xi32, #tpu.memory_space<vmem>> -> memref<1x112xi32, #tpu.memory_space<vmem>>
        %dma_start3A_513 = tpu.memref_squeeze %dma_start3A_512 : memref<1x112xi32, #tpu.memory_space<vmem>> -> memref<112xi32, #tpu.memory_space<vmem>>
        %dma_start3A_514 = arith.constant 0 : i32
        %dma_start3A_515 = arith.constant 0 : i32
        %dma_start3A_516 = tpu.memref_slice %arg6[%dma_start3A_514, %dma_start3A_515] : memref<10240x128xf32, #tpu.memory_space<vmem_shared>> -> memref<10240x128xf32, #tpu.memory_space<vmem_shared>>
        tpu.enqueue_indirect_dma source(%dma_start3A_510 : memref<112x128xf32, #tpu.memory_space<vmem>>) target(%dma_start3A_516 : memref<10240x128xf32, #tpu.memory_space<vmem_shared>>) offsets(%dma_start3A_513 : memref<112xi32, #tpu.memory_space<vmem>>) semaphore(%arg12 : memref<!tpu.dma_semaphore, #tpu.memory_space<semaphore_mem>>) {add = true}
      } else {
      }
      %ge3A_295 = arith.constant 2 : i32
      %ge3A_296 = arith.cmpi sge, %add3A_253, %ge3A_295 : i32
      %convert_element_type3A_297 = arith.extui %ge3A_296 : i1 to i32
      %cond3A_298 = arith.constant 0 : i32
      %cond3A_299 = arith.cmpi ne, %convert_element_type3A_297, %cond3A_298 : i32
      scf.if %cond3A_299 {
        %sub3A = arith.constant 2 : i32
        %sub3A_492 = arith.subi %add3A_253, %sub3A : i32
        %dma_wait3A_493 = arith.constant 2 : i32
        %dma_wait3A_494 = arith.constant 5 : i32
        %dma_wait3A_495 = arith.constant 0 : i32
        %dma_wait3A_496 = arith.constant 0 : i32
        %dma_wait3A_497 = tpu.memref_slice %arg9[%dma_wait3A_493, %dma_wait3A_495, %dma_wait3A_496] : memref<3x112x128xf32, #tpu.memory_space<vmem>> -> memref<1x112x128xf32, #tpu.memory_space<vmem>>
        %dma_wait3A_498 = tpu.memref_squeeze %dma_wait3A_497 : memref<1x112x128xf32, #tpu.memory_space<vmem>> -> memref<112x128xf32, #tpu.memory_space<vmem>>
        %dma_wait3A_499 = arith.constant 0 : i32
        %dma_wait3A_500 = tpu.memref_slice %arg8[%dma_wait3A_494, %dma_wait3A_499] : memref<6x112xi32, #tpu.memory_space<vmem>> -> memref<1x112xi32, #tpu.memory_space<vmem>>
        %dma_wait3A_501 = tpu.memref_squeeze %dma_wait3A_500 : memref<1x112xi32, #tpu.memory_space<vmem>> -> memref<112xi32, #tpu.memory_space<vmem>>
        %dma_wait3A_502 = arith.constant 0 : i32
        %dma_wait3A_503 = arith.constant 0 : i32
        %dma_wait3A_504 = tpu.memref_slice %arg6[%dma_wait3A_502, %dma_wait3A_503] : memref<10240x128xf32, #tpu.memory_space<vmem_shared>> -> memref<10240x128xf32, #tpu.memory_space<vmem_shared>>
        tpu.wait_indirect_dma semaphore(%arg12 : memref<!tpu.dma_semaphore, #tpu.memory_space<semaphore_mem>>) src(%dma_wait3A_498 : memref<112x128xf32, #tpu.memory_space<vmem>>) dst(%dma_wait3A_504 : memref<10240x128xf32, #tpu.memory_space<vmem_shared>>)
        %add3A_505 = arith.constant 6 : i32
        %add3A_506 = arith.addi %add3A_253, %add3A_505 : i32
        %sub3A_507 = arith.constant 2 : i32
        %sub3A_508 = arith.subi %add3A_506, %sub3A_507 : i32
        %lt3A = arith.constant 90 : i32
        %lt3A_509 = arith.cmpi slt, %sub3A_508, %lt3A : i32
        %convert_element_type3A_510 = arith.extui %lt3A_509 : i1 to i32
        %cond3A_511 = arith.constant 0 : i32
        %cond3A_512 = arith.cmpi ne, %convert_element_type3A_510, %cond3A_511 : i32
        scf.if %cond3A_512 {
          %add3A_513 = arith.constant 6 : i32
          %add3A_514 = arith.addi %add3A_253, %add3A_513 : i32
          %sub3A_515 = arith.constant 2 : i32
          %sub3A_516 = arith.subi %add3A_514, %sub3A_515 : i32
          %mul3A_517 = arith.constant 112 : i32
          %mul3A_518 = arith.muli %sub3A_516, %mul3A_517 : i32
          %add3A_519 = arith.addi %mul3A_2, %mul3A_518 : i32
          %mul3A_520 = arith.constant 112 : i32
          %mul3A_521 = arith.muli %sub3A_516, %mul3A_520 : i32
          %add3A_522 = arith.addi %mul3A_2, %mul3A_521 : i32
          %dma_start3A_523 = arith.constant 5 : i32
          %dma_start3A_524 = arith.constant 0 : i32
          %dma_start3A_525 = tpu.memref_slice %arg7[%dma_start3A_523, %dma_start3A_524] : memref<6x112xi32, #tpu.memory_space<vmem>> -> memref<1x112xi32, #tpu.memory_space<vmem>>
          %dma_start3A_526 = tpu.memref_squeeze %dma_start3A_525 : memref<1x112xi32, #tpu.memory_space<vmem>> -> memref<112xi32, #tpu.memory_space<vmem>>
          %dma_start3A_527 = tpu.memref_slice %arg3[%add3A_519] : memref<322560xi32, #tpu.memory_space<hbm>> -> memref<112xi32, #tpu.memory_space<hbm>>
          %dma_start3A_528 = arith.constant 0 : i32
          %dma_start3A_529 = tpu.memref_slice %arg7[%dma_start3A_523, %dma_start3A_528] : memref<6x112xi32, #tpu.memory_space<vmem>> -> memref<1x112xi32, #tpu.memory_space<vmem>>
          %dma_start3A_530 = tpu.memref_squeeze %dma_start3A_529 : memref<1x112xi32, #tpu.memory_space<vmem>> -> memref<112xi32, #tpu.memory_space<vmem>>
          %dma_start3A_531 = tpu.memref_slice %arg3[%add3A_519] : memref<322560xi32, #tpu.memory_space<hbm>> -> memref<112xi32, #tpu.memory_space<hbm>>
          tpu.enqueue_dma source(%dma_start3A_531 : memref<112xi32, #tpu.memory_space<hbm>>) target(%dma_start3A_530 : memref<112xi32, #tpu.memory_space<vmem>>) target_semaphore(%arg10 : memref<!tpu.dma_semaphore, #tpu.memory_space<semaphore_mem>>)
          %dma_start3A_532 = arith.constant 5 : i32
          %dma_start3A_533 = arith.constant 0 : i32
          %dma_start3A_534 = tpu.memref_slice %arg8[%dma_start3A_532, %dma_start3A_533] : memref<6x112xi32, #tpu.memory_space<vmem>> -> memref<1x112xi32, #tpu.memory_space<vmem>>
          %dma_start3A_535 = tpu.memref_squeeze %dma_start3A_534 : memref<1x112xi32, #tpu.memory_space<vmem>> -> memref<112xi32, #tpu.memory_space<vmem>>
          %dma_start3A_536 = tpu.memref_slice %arg4[%add3A_522] : memref<322560xi32, #tpu.memory_space<hbm>> -> memref<112xi32, #tpu.memory_space<hbm>>
          %dma_start3A_537 = arith.constant 0 : i32
          %dma_start3A_538 = tpu.memref_slice %arg8[%dma_start3A_532, %dma_start3A_537] : memref<6x112xi32, #tpu.memory_space<vmem>> -> memref<1x112xi32, #tpu.memory_space<vmem>>
          %dma_start3A_539 = tpu.memref_squeeze %dma_start3A_538 : memref<1x112xi32, #tpu.memory_space<vmem>> -> memref<112xi32, #tpu.memory_space<vmem>>
          %dma_start3A_540 = tpu.memref_slice %arg4[%add3A_522] : memref<322560xi32, #tpu.memory_space<hbm>> -> memref<112xi32, #tpu.memory_space<hbm>>
          tpu.enqueue_dma source(%dma_start3A_540 : memref<112xi32, #tpu.memory_space<hbm>>) target(%dma_start3A_539 : memref<112xi32, #tpu.memory_space<vmem>>) target_semaphore(%arg10 : memref<!tpu.dma_semaphore, #tpu.memory_space<semaphore_mem>>)
        } else {
        }
      } else {
      }
      %add3A_300 = arith.constant 2 : i32
      %add3A_301 = arith.addi %add3A_206, %add3A_300 : i32
      %mul3A_302 = arith.constant 112 : i32
      %mul3A_303 = arith.muli %add3A_301, %mul3A_302 : i32
      %add3A_304 = arith.addi %mul3A_2, %mul3A_303 : i32
      %mul3A_305 = arith.constant 112 : i32
      %mul3A_306 = arith.muli %add3A_301, %mul3A_305 : i32
      %add3A_307 = arith.addi %mul3A_2, %mul3A_306 : i32
      %dma_wait3A_308 = arith.constant 2 : i32
      %dma_wait3A_309 = arith.constant 0 : i32
      %dma_wait3A_310 = tpu.memref_slice %arg7[%dma_wait3A_308, %dma_wait3A_309] : memref<6x112xi32, #tpu.memory_space<vmem>> -> memref<1x112xi32, #tpu.memory_space<vmem>>
      %dma_wait3A_311 = tpu.memref_squeeze %dma_wait3A_310 : memref<1x112xi32, #tpu.memory_space<vmem>> -> memref<112xi32, #tpu.memory_space<vmem>>
      %dma_wait3A_312 = tpu.memref_slice %arg3[%add3A_304] : memref<322560xi32, #tpu.memory_space<hbm>> -> memref<112xi32, #tpu.memory_space<hbm>>
      %dma_wait3A_313 = arith.constant 0 : i32
      %dma_wait3A_314 = tpu.memref_slice %arg7[%dma_wait3A_308, %dma_wait3A_313] : memref<6x112xi32, #tpu.memory_space<vmem>> -> memref<1x112xi32, #tpu.memory_space<vmem>>
      %dma_wait3A_315 = tpu.memref_squeeze %dma_wait3A_314 : memref<1x112xi32, #tpu.memory_space<vmem>> -> memref<112xi32, #tpu.memory_space<vmem>>
      %dma_wait3A_316 = tpu.memref_slice %arg3[%add3A_304] : memref<322560xi32, #tpu.memory_space<hbm>> -> memref<112xi32, #tpu.memory_space<hbm>>
      tpu.wait_dma2 semaphore(%arg10 : memref<!tpu.dma_semaphore, #tpu.memory_space<semaphore_mem>>) src(%dma_wait3A_316 : memref<112xi32, #tpu.memory_space<hbm>>) dst(%dma_wait3A_315 : memref<112xi32, #tpu.memory_space<vmem>>)
      %dma_wait3A_317 = arith.constant 2 : i32
      %dma_wait3A_318 = arith.constant 0 : i32
      %dma_wait3A_319 = tpu.memref_slice %arg8[%dma_wait3A_317, %dma_wait3A_318] : memref<6x112xi32, #tpu.memory_space<vmem>> -> memref<1x112xi32, #tpu.memory_space<vmem>>
      %dma_wait3A_320 = tpu.memref_squeeze %dma_wait3A_319 : memref<1x112xi32, #tpu.memory_space<vmem>> -> memref<112xi32, #tpu.memory_space<vmem>>
      %dma_wait3A_321 = tpu.memref_slice %arg4[%add3A_307] : memref<322560xi32, #tpu.memory_space<hbm>> -> memref<112xi32, #tpu.memory_space<hbm>>
      %dma_wait3A_322 = arith.constant 0 : i32
      %dma_wait3A_323 = tpu.memref_slice %arg8[%dma_wait3A_317, %dma_wait3A_322] : memref<6x112xi32, #tpu.memory_space<vmem>> -> memref<1x112xi32, #tpu.memory_space<vmem>>
      %dma_wait3A_324 = tpu.memref_squeeze %dma_wait3A_323 : memref<1x112xi32, #tpu.memory_space<vmem>> -> memref<112xi32, #tpu.memory_space<vmem>>
      %dma_wait3A_325 = tpu.memref_slice %arg4[%add3A_307] : memref<322560xi32, #tpu.memory_space<hbm>> -> memref<112xi32, #tpu.memory_space<hbm>>
      tpu.wait_dma2 semaphore(%arg10 : memref<!tpu.dma_semaphore, #tpu.memory_space<semaphore_mem>>) src(%dma_wait3A_325 : memref<112xi32, #tpu.memory_space<hbm>>) dst(%dma_wait3A_324 : memref<112xi32, #tpu.memory_space<vmem>>)
      %dma_start3A_326 = arith.constant 2 : i32
      %dma_start3A_327 = arith.constant 2 : i32
      %dma_start3A_328 = arith.constant 0 : i32
      %dma_start3A_329 = arith.constant 0 : i32
      %dma_start3A_330 = tpu.memref_slice %arg9[%dma_start3A_327, %dma_start3A_328, %dma_start3A_329] : memref<3x112x128xf32, #tpu.memory_space<vmem>> -> memref<1x112x128xf32, #tpu.memory_space<vmem>>
      %dma_start3A_331 = tpu.memref_squeeze %dma_start3A_330 : memref<1x112x128xf32, #tpu.memory_space<vmem>> -> memref<112x128xf32, #tpu.memory_space<vmem>>
      %dma_start3A_332 = arith.constant 0 : i32
      %dma_start3A_333 = tpu.memref_slice %arg7[%dma_start3A_326, %dma_start3A_332] : memref<6x112xi32, #tpu.memory_space<vmem>> -> memref<1x112xi32, #tpu.memory_space<vmem>>
      %dma_start3A_334 = tpu.memref_squeeze %dma_start3A_333 : memref<1x112xi32, #tpu.memory_space<vmem>> -> memref<112xi32, #tpu.memory_space<vmem>>
      %dma_start3A_335 = arith.constant 0 : i32
      %dma_start3A_336 = arith.constant 0 : i32
      %dma_start3A_337 = tpu.memref_slice %arg2[%dma_start3A_335, %dma_start3A_336] : memref<10000x128xf32, #tpu.memory_space<hbm>> -> memref<10000x128xf32, #tpu.memory_space<hbm>>
      tpu.enqueue_indirect_dma source(%dma_start3A_337 : memref<10000x128xf32, #tpu.memory_space<hbm>>) target(%dma_start3A_331 : memref<112x128xf32, #tpu.memory_space<vmem>>) offsets(%dma_start3A_334 : memref<112xi32, #tpu.memory_space<vmem>>) semaphore(%arg11 : memref<!tpu.dma_semaphore, #tpu.memory_space<semaphore_mem>>)
      %ge3A_338 = arith.constant 1 : i32
      %ge3A_339 = arith.cmpi sge, %add3A_301, %ge3A_338 : i32
      %convert_element_type3A_340 = arith.extui %ge3A_339 : i1 to i32
      %cond3A_341 = arith.constant 0 : i32
      %cond3A_342 = arith.cmpi ne, %convert_element_type3A_340, %cond3A_341 : i32
      scf.if %cond3A_342 {
        %sub3A = arith.constant 1 : i32
        %sub3A_492 = arith.subi %add3A_301, %sub3A : i32
        %dma_wait3A_493 = arith.constant 1 : i32
        %dma_wait3A_494 = arith.constant 1 : i32
        %dma_wait3A_495 = arith.constant 0 : i32
        %dma_wait3A_496 = arith.constant 0 : i32
        %dma_wait3A_497 = tpu.memref_slice %arg9[%dma_wait3A_494, %dma_wait3A_495, %dma_wait3A_496] : memref<3x112x128xf32, #tpu.memory_space<vmem>> -> memref<1x112x128xf32, #tpu.memory_space<vmem>>
        %dma_wait3A_498 = tpu.memref_squeeze %dma_wait3A_497 : memref<1x112x128xf32, #tpu.memory_space<vmem>> -> memref<112x128xf32, #tpu.memory_space<vmem>>
        %dma_wait3A_499 = arith.constant 0 : i32
        %dma_wait3A_500 = tpu.memref_slice %arg7[%dma_wait3A_493, %dma_wait3A_499] : memref<6x112xi32, #tpu.memory_space<vmem>> -> memref<1x112xi32, #tpu.memory_space<vmem>>
        %dma_wait3A_501 = tpu.memref_squeeze %dma_wait3A_500 : memref<1x112xi32, #tpu.memory_space<vmem>> -> memref<112xi32, #tpu.memory_space<vmem>>
        %dma_wait3A_502 = arith.constant 0 : i32
        %dma_wait3A_503 = arith.constant 0 : i32
        %dma_wait3A_504 = tpu.memref_slice %arg2[%dma_wait3A_502, %dma_wait3A_503] : memref<10000x128xf32, #tpu.memory_space<hbm>> -> memref<10000x128xf32, #tpu.memory_space<hbm>>
        tpu.wait_indirect_dma semaphore(%arg11 : memref<!tpu.dma_semaphore, #tpu.memory_space<semaphore_mem>>) src(%dma_wait3A_504 : memref<10000x128xf32, #tpu.memory_space<hbm>>) dst(%dma_wait3A_498 : memref<112x128xf32, #tpu.memory_space<vmem>>)
        %dma_start3A_505 = arith.constant 1 : i32
        %dma_start3A_506 = arith.constant 1 : i32
        %dma_start3A_507 = arith.constant 0 : i32
        %dma_start3A_508 = arith.constant 0 : i32
        %dma_start3A_509 = tpu.memref_slice %arg9[%dma_start3A_505, %dma_start3A_507, %dma_start3A_508] : memref<3x112x128xf32, #tpu.memory_space<vmem>> -> memref<1x112x128xf32, #tpu.memory_space<vmem>>
        %dma_start3A_510 = tpu.memref_squeeze %dma_start3A_509 : memref<1x112x128xf32, #tpu.memory_space<vmem>> -> memref<112x128xf32, #tpu.memory_space<vmem>>
        %dma_start3A_511 = arith.constant 0 : i32
        %dma_start3A_512 = tpu.memref_slice %arg8[%dma_start3A_506, %dma_start3A_511] : memref<6x112xi32, #tpu.memory_space<vmem>> -> memref<1x112xi32, #tpu.memory_space<vmem>>
        %dma_start3A_513 = tpu.memref_squeeze %dma_start3A_512 : memref<1x112xi32, #tpu.memory_space<vmem>> -> memref<112xi32, #tpu.memory_space<vmem>>
        %dma_start3A_514 = arith.constant 0 : i32
        %dma_start3A_515 = arith.constant 0 : i32
        %dma_start3A_516 = tpu.memref_slice %arg6[%dma_start3A_514, %dma_start3A_515] : memref<10240x128xf32, #tpu.memory_space<vmem_shared>> -> memref<10240x128xf32, #tpu.memory_space<vmem_shared>>
        tpu.enqueue_indirect_dma source(%dma_start3A_510 : memref<112x128xf32, #tpu.memory_space<vmem>>) target(%dma_start3A_516 : memref<10240x128xf32, #tpu.memory_space<vmem_shared>>) offsets(%dma_start3A_513 : memref<112xi32, #tpu.memory_space<vmem>>) semaphore(%arg12 : memref<!tpu.dma_semaphore, #tpu.memory_space<semaphore_mem>>) {add = true}
      } else {
      }
      %ge3A_343 = arith.constant 2 : i32
      %ge3A_344 = arith.cmpi sge, %add3A_301, %ge3A_343 : i32
      %convert_element_type3A_345 = arith.extui %ge3A_344 : i1 to i32
      %cond3A_346 = arith.constant 0 : i32
      %cond3A_347 = arith.cmpi ne, %convert_element_type3A_345, %cond3A_346 : i32
      scf.if %cond3A_347 {
        %sub3A = arith.constant 2 : i32
        %sub3A_492 = arith.subi %add3A_301, %sub3A : i32
        %dma_wait3A_493 = arith.constant 0 : i32
        %dma_wait3A_494 = arith.constant 0 : i32
        %dma_wait3A_495 = arith.constant 0 : i32
        %dma_wait3A_496 = arith.constant 0 : i32
        %dma_wait3A_497 = tpu.memref_slice %arg9[%dma_wait3A_493, %dma_wait3A_495, %dma_wait3A_496] : memref<3x112x128xf32, #tpu.memory_space<vmem>> -> memref<1x112x128xf32, #tpu.memory_space<vmem>>
        %dma_wait3A_498 = tpu.memref_squeeze %dma_wait3A_497 : memref<1x112x128xf32, #tpu.memory_space<vmem>> -> memref<112x128xf32, #tpu.memory_space<vmem>>
        %dma_wait3A_499 = arith.constant 0 : i32
        %dma_wait3A_500 = tpu.memref_slice %arg8[%dma_wait3A_494, %dma_wait3A_499] : memref<6x112xi32, #tpu.memory_space<vmem>> -> memref<1x112xi32, #tpu.memory_space<vmem>>
        %dma_wait3A_501 = tpu.memref_squeeze %dma_wait3A_500 : memref<1x112xi32, #tpu.memory_space<vmem>> -> memref<112xi32, #tpu.memory_space<vmem>>
        %dma_wait3A_502 = arith.constant 0 : i32
        %dma_wait3A_503 = arith.constant 0 : i32
        %dma_wait3A_504 = tpu.memref_slice %arg6[%dma_wait3A_502, %dma_wait3A_503] : memref<10240x128xf32, #tpu.memory_space<vmem_shared>> -> memref<10240x128xf32, #tpu.memory_space<vmem_shared>>
        tpu.wait_indirect_dma semaphore(%arg12 : memref<!tpu.dma_semaphore, #tpu.memory_space<semaphore_mem>>) src(%dma_wait3A_498 : memref<112x128xf32, #tpu.memory_space<vmem>>) dst(%dma_wait3A_504 : memref<10240x128xf32, #tpu.memory_space<vmem_shared>>)
        %add3A_505 = arith.constant 6 : i32
        %add3A_506 = arith.addi %add3A_301, %add3A_505 : i32
        %sub3A_507 = arith.constant 2 : i32
        %sub3A_508 = arith.subi %add3A_506, %sub3A_507 : i32
        %lt3A = arith.constant 90 : i32
        %lt3A_509 = arith.cmpi slt, %sub3A_508, %lt3A : i32
        %convert_element_type3A_510 = arith.extui %lt3A_509 : i1 to i32
        %cond3A_511 = arith.constant 0 : i32
        %cond3A_512 = arith.cmpi ne, %convert_element_type3A_510, %cond3A_511 : i32
        scf.if %cond3A_512 {
          %add3A_513 = arith.constant 6 : i32
          %add3A_514 = arith.addi %add3A_301, %add3A_513 : i32
          %sub3A_515 = arith.constant 2 : i32
          %sub3A_516 = arith.subi %add3A_514, %sub3A_515 : i32
          %mul3A_517 = arith.constant 112 : i32
          %mul3A_518 = arith.muli %sub3A_516, %mul3A_517 : i32
          %add3A_519 = arith.addi %mul3A_2, %mul3A_518 : i32
          %mul3A_520 = arith.constant 112 : i32
          %mul3A_521 = arith.muli %sub3A_516, %mul3A_520 : i32
          %add3A_522 = arith.addi %mul3A_2, %mul3A_521 : i32
          %dma_start3A_523 = arith.constant 0 : i32
          %dma_start3A_524 = arith.constant 0 : i32
          %dma_start3A_525 = tpu.memref_slice %arg7[%dma_start3A_523, %dma_start3A_524] : memref<6x112xi32, #tpu.memory_space<vmem>> -> memref<1x112xi32, #tpu.memory_space<vmem>>
          %dma_start3A_526 = tpu.memref_squeeze %dma_start3A_525 : memref<1x112xi32, #tpu.memory_space<vmem>> -> memref<112xi32, #tpu.memory_space<vmem>>
          %dma_start3A_527 = tpu.memref_slice %arg3[%add3A_519] : memref<322560xi32, #tpu.memory_space<hbm>> -> memref<112xi32, #tpu.memory_space<hbm>>
          %dma_start3A_528 = arith.constant 0 : i32
          %dma_start3A_529 = tpu.memref_slice %arg7[%dma_start3A_523, %dma_start3A_528] : memref<6x112xi32, #tpu.memory_space<vmem>> -> memref<1x112xi32, #tpu.memory_space<vmem>>
          %dma_start3A_530 = tpu.memref_squeeze %dma_start3A_529 : memref<1x112xi32, #tpu.memory_space<vmem>> -> memref<112xi32, #tpu.memory_space<vmem>>
          %dma_start3A_531 = tpu.memref_slice %arg3[%add3A_519] : memref<322560xi32, #tpu.memory_space<hbm>> -> memref<112xi32, #tpu.memory_space<hbm>>
          tpu.enqueue_dma source(%dma_start3A_531 : memref<112xi32, #tpu.memory_space<hbm>>) target(%dma_start3A_530 : memref<112xi32, #tpu.memory_space<vmem>>) target_semaphore(%arg10 : memref<!tpu.dma_semaphore, #tpu.memory_space<semaphore_mem>>)
          %dma_start3A_532 = arith.constant 0 : i32
          %dma_start3A_533 = arith.constant 0 : i32
          %dma_start3A_534 = tpu.memref_slice %arg8[%dma_start3A_532, %dma_start3A_533] : memref<6x112xi32, #tpu.memory_space<vmem>> -> memref<1x112xi32, #tpu.memory_space<vmem>>
          %dma_start3A_535 = tpu.memref_squeeze %dma_start3A_534 : memref<1x112xi32, #tpu.memory_space<vmem>> -> memref<112xi32, #tpu.memory_space<vmem>>
          %dma_start3A_536 = tpu.memref_slice %arg4[%add3A_522] : memref<322560xi32, #tpu.memory_space<hbm>> -> memref<112xi32, #tpu.memory_space<hbm>>
          %dma_start3A_537 = arith.constant 0 : i32
          %dma_start3A_538 = tpu.memref_slice %arg8[%dma_start3A_532, %dma_start3A_537] : memref<6x112xi32, #tpu.memory_space<vmem>> -> memref<1x112xi32, #tpu.memory_space<vmem>>
          %dma_start3A_539 = tpu.memref_squeeze %dma_start3A_538 : memref<1x112xi32, #tpu.memory_space<vmem>> -> memref<112xi32, #tpu.memory_space<vmem>>
          %dma_start3A_540 = tpu.memref_slice %arg4[%add3A_522] : memref<322560xi32, #tpu.memory_space<hbm>> -> memref<112xi32, #tpu.memory_space<hbm>>
          tpu.enqueue_dma source(%dma_start3A_540 : memref<112xi32, #tpu.memory_space<hbm>>) target(%dma_start3A_539 : memref<112xi32, #tpu.memory_space<vmem>>) target_semaphore(%arg10 : memref<!tpu.dma_semaphore, #tpu.memory_space<semaphore_mem>>)
        } else {
        }
      } else {
      }
      %add3A_348 = arith.constant 3 : i32
      %add3A_349 = arith.addi %add3A_206, %add3A_348 : i32
      %mul3A_350 = arith.constant 112 : i32
      %mul3A_351 = arith.muli %add3A_349, %mul3A_350 : i32
      %add3A_352 = arith.addi %mul3A_2, %mul3A_351 : i32
      %mul3A_353 = arith.constant 112 : i32
      %mul3A_354 = arith.muli %add3A_349, %mul3A_353 : i32
      %add3A_355 = arith.addi %mul3A_2, %mul3A_354 : i32
      %dma_wait3A_356 = arith.constant 3 : i32
      %dma_wait3A_357 = arith.constant 0 : i32
      %dma_wait3A_358 = tpu.memref_slice %arg7[%dma_wait3A_356, %dma_wait3A_357] : memref<6x112xi32, #tpu.memory_space<vmem>> -> memref<1x112xi32, #tpu.memory_space<vmem>>
      %dma_wait3A_359 = tpu.memref_squeeze %dma_wait3A_358 : memref<1x112xi32, #tpu.memory_space<vmem>> -> memref<112xi32, #tpu.memory_space<vmem>>
      %dma_wait3A_360 = tpu.memref_slice %arg3[%add3A_352] : memref<322560xi32, #tpu.memory_space<hbm>> -> memref<112xi32, #tpu.memory_space<hbm>>
      %dma_wait3A_361 = arith.constant 0 : i32
      %dma_wait3A_362 = tpu.memref_slice %arg7[%dma_wait3A_356, %dma_wait3A_361] : memref<6x112xi32, #tpu.memory_space<vmem>> -> memref<1x112xi32, #tpu.memory_space<vmem>>
      %dma_wait3A_363 = tpu.memref_squeeze %dma_wait3A_362 : memref<1x112xi32, #tpu.memory_space<vmem>> -> memref<112xi32, #tpu.memory_space<vmem>>
      %dma_wait3A_364 = tpu.memref_slice %arg3[%add3A_352] : memref<322560xi32, #tpu.memory_space<hbm>> -> memref<112xi32, #tpu.memory_space<hbm>>
      tpu.wait_dma2 semaphore(%arg10 : memref<!tpu.dma_semaphore, #tpu.memory_space<semaphore_mem>>) src(%dma_wait3A_364 : memref<112xi32, #tpu.memory_space<hbm>>) dst(%dma_wait3A_363 : memref<112xi32, #tpu.memory_space<vmem>>)
      %dma_wait3A_365 = arith.constant 3 : i32
      %dma_wait3A_366 = arith.constant 0 : i32
      %dma_wait3A_367 = tpu.memref_slice %arg8[%dma_wait3A_365, %dma_wait3A_366] : memref<6x112xi32, #tpu.memory_space<vmem>> -> memref<1x112xi32, #tpu.memory_space<vmem>>
      %dma_wait3A_368 = tpu.memref_squeeze %dma_wait3A_367 : memref<1x112xi32, #tpu.memory_space<vmem>> -> memref<112xi32, #tpu.memory_space<vmem>>
      %dma_wait3A_369 = tpu.memref_slice %arg4[%add3A_355] : memref<322560xi32, #tpu.memory_space<hbm>> -> memref<112xi32, #tpu.memory_space<hbm>>
      %dma_wait3A_370 = arith.constant 0 : i32
      %dma_wait3A_371 = tpu.memref_slice %arg8[%dma_wait3A_365, %dma_wait3A_370] : memref<6x112xi32, #tpu.memory_space<vmem>> -> memref<1x112xi32, #tpu.memory_space<vmem>>
      %dma_wait3A_372 = tpu.memref_squeeze %dma_wait3A_371 : memref<1x112xi32, #tpu.memory_space<vmem>> -> memref<112xi32, #tpu.memory_space<vmem>>
      %dma_wait3A_373 = tpu.memref_slice %arg4[%add3A_355] : memref<322560xi32, #tpu.memory_space<hbm>> -> memref<112xi32, #tpu.memory_space<hbm>>
      tpu.wait_dma2 semaphore(%arg10 : memref<!tpu.dma_semaphore, #tpu.memory_space<semaphore_mem>>) src(%dma_wait3A_373 : memref<112xi32, #tpu.memory_space<hbm>>) dst(%dma_wait3A_372 : memref<112xi32, #tpu.memory_space<vmem>>)
      %dma_start3A_374 = arith.constant 3 : i32
      %dma_start3A_375 = arith.constant 0 : i32
      %dma_start3A_376 = arith.constant 0 : i32
      %dma_start3A_377 = arith.constant 0 : i32
      %dma_start3A_378 = tpu.memref_slice %arg9[%dma_start3A_375, %dma_start3A_376, %dma_start3A_377] : memref<3x112x128xf32, #tpu.memory_space<vmem>> -> memref<1x112x128xf32, #tpu.memory_space<vmem>>
      %dma_start3A_379 = tpu.memref_squeeze %dma_start3A_378 : memref<1x112x128xf32, #tpu.memory_space<vmem>> -> memref<112x128xf32, #tpu.memory_space<vmem>>
      %dma_start3A_380 = arith.constant 0 : i32
      %dma_start3A_381 = tpu.memref_slice %arg7[%dma_start3A_374, %dma_start3A_380] : memref<6x112xi32, #tpu.memory_space<vmem>> -> memref<1x112xi32, #tpu.memory_space<vmem>>
      %dma_start3A_382 = tpu.memref_squeeze %dma_start3A_381 : memref<1x112xi32, #tpu.memory_space<vmem>> -> memref<112xi32, #tpu.memory_space<vmem>>
      %dma_start3A_383 = arith.constant 0 : i32
      %dma_start3A_384 = arith.constant 0 : i32
      %dma_start3A_385 = tpu.memref_slice %arg2[%dma_start3A_383, %dma_start3A_384] : memref<10000x128xf32, #tpu.memory_space<hbm>> -> memref<10000x128xf32, #tpu.memory_space<hbm>>
      tpu.enqueue_indirect_dma source(%dma_start3A_385 : memref<10000x128xf32, #tpu.memory_space<hbm>>) target(%dma_start3A_379 : memref<112x128xf32, #tpu.memory_space<vmem>>) offsets(%dma_start3A_382 : memref<112xi32, #tpu.memory_space<vmem>>) semaphore(%arg11 : memref<!tpu.dma_semaphore, #tpu.memory_space<semaphore_mem>>)
      %ge3A_386 = arith.constant 1 : i32
      %ge3A_387 = arith.cmpi sge, %add3A_349, %ge3A_386 : i32
      %convert_element_type3A_388 = arith.extui %ge3A_387 : i1 to i32
      %cond3A_389 = arith.constant 0 : i32
      %cond3A_390 = arith.cmpi ne, %convert_element_type3A_388, %cond3A_389 : i32
      scf.if %cond3A_390 {
        %sub3A = arith.constant 1 : i32
        %sub3A_492 = arith.subi %add3A_349, %sub3A : i32
        %dma_wait3A_493 = arith.constant 2 : i32
        %dma_wait3A_494 = arith.constant 2 : i32
        %dma_wait3A_495 = arith.constant 0 : i32
        %dma_wait3A_496 = arith.constant 0 : i32
        %dma_wait3A_497 = tpu.memref_slice %arg9[%dma_wait3A_494, %dma_wait3A_495, %dma_wait3A_496] : memref<3x112x128xf32, #tpu.memory_space<vmem>> -> memref<1x112x128xf32, #tpu.memory_space<vmem>>
        %dma_wait3A_498 = tpu.memref_squeeze %dma_wait3A_497 : memref<1x112x128xf32, #tpu.memory_space<vmem>> -> memref<112x128xf32, #tpu.memory_space<vmem>>
        %dma_wait3A_499 = arith.constant 0 : i32
        %dma_wait3A_500 = tpu.memref_slice %arg7[%dma_wait3A_493, %dma_wait3A_499] : memref<6x112xi32, #tpu.memory_space<vmem>> -> memref<1x112xi32, #tpu.memory_space<vmem>>
        %dma_wait3A_501 = tpu.memref_squeeze %dma_wait3A_500 : memref<1x112xi32, #tpu.memory_space<vmem>> -> memref<112xi32, #tpu.memory_space<vmem>>
        %dma_wait3A_502 = arith.constant 0 : i32
        %dma_wait3A_503 = arith.constant 0 : i32
        %dma_wait3A_504 = tpu.memref_slice %arg2[%dma_wait3A_502, %dma_wait3A_503] : memref<10000x128xf32, #tpu.memory_space<hbm>> -> memref<10000x128xf32, #tpu.memory_space<hbm>>
        tpu.wait_indirect_dma semaphore(%arg11 : memref<!tpu.dma_semaphore, #tpu.memory_space<semaphore_mem>>) src(%dma_wait3A_504 : memref<10000x128xf32, #tpu.memory_space<hbm>>) dst(%dma_wait3A_498 : memref<112x128xf32, #tpu.memory_space<vmem>>)
        %dma_start3A_505 = arith.constant 2 : i32
        %dma_start3A_506 = arith.constant 2 : i32
        %dma_start3A_507 = arith.constant 0 : i32
        %dma_start3A_508 = arith.constant 0 : i32
        %dma_start3A_509 = tpu.memref_slice %arg9[%dma_start3A_505, %dma_start3A_507, %dma_start3A_508] : memref<3x112x128xf32, #tpu.memory_space<vmem>> -> memref<1x112x128xf32, #tpu.memory_space<vmem>>
        %dma_start3A_510 = tpu.memref_squeeze %dma_start3A_509 : memref<1x112x128xf32, #tpu.memory_space<vmem>> -> memref<112x128xf32, #tpu.memory_space<vmem>>
        %dma_start3A_511 = arith.constant 0 : i32
        %dma_start3A_512 = tpu.memref_slice %arg8[%dma_start3A_506, %dma_start3A_511] : memref<6x112xi32, #tpu.memory_space<vmem>> -> memref<1x112xi32, #tpu.memory_space<vmem>>
        %dma_start3A_513 = tpu.memref_squeeze %dma_start3A_512 : memref<1x112xi32, #tpu.memory_space<vmem>> -> memref<112xi32, #tpu.memory_space<vmem>>
        %dma_start3A_514 = arith.constant 0 : i32
        %dma_start3A_515 = arith.constant 0 : i32
        %dma_start3A_516 = tpu.memref_slice %arg6[%dma_start3A_514, %dma_start3A_515] : memref<10240x128xf32, #tpu.memory_space<vmem_shared>> -> memref<10240x128xf32, #tpu.memory_space<vmem_shared>>
        tpu.enqueue_indirect_dma source(%dma_start3A_510 : memref<112x128xf32, #tpu.memory_space<vmem>>) target(%dma_start3A_516 : memref<10240x128xf32, #tpu.memory_space<vmem_shared>>) offsets(%dma_start3A_513 : memref<112xi32, #tpu.memory_space<vmem>>) semaphore(%arg12 : memref<!tpu.dma_semaphore, #tpu.memory_space<semaphore_mem>>) {add = true}
      } else {
      }
      %ge3A_391 = arith.constant 2 : i32
      %ge3A_392 = arith.cmpi sge, %add3A_349, %ge3A_391 : i32
      %convert_element_type3A_393 = arith.extui %ge3A_392 : i1 to i32
      %cond3A_394 = arith.constant 0 : i32
      %cond3A_395 = arith.cmpi ne, %convert_element_type3A_393, %cond3A_394 : i32
      scf.if %cond3A_395 {
        %sub3A = arith.constant 2 : i32
        %sub3A_492 = arith.subi %add3A_349, %sub3A : i32
        %dma_wait3A_493 = arith.constant 1 : i32
        %dma_wait3A_494 = arith.constant 1 : i32
        %dma_wait3A_495 = arith.constant 0 : i32
        %dma_wait3A_496 = arith.constant 0 : i32
        %dma_wait3A_497 = tpu.memref_slice %arg9[%dma_wait3A_493, %dma_wait3A_495, %dma_wait3A_496] : memref<3x112x128xf32, #tpu.memory_space<vmem>> -> memref<1x112x128xf32, #tpu.memory_space<vmem>>
        %dma_wait3A_498 = tpu.memref_squeeze %dma_wait3A_497 : memref<1x112x128xf32, #tpu.memory_space<vmem>> -> memref<112x128xf32, #tpu.memory_space<vmem>>
        %dma_wait3A_499 = arith.constant 0 : i32
        %dma_wait3A_500 = tpu.memref_slice %arg8[%dma_wait3A_494, %dma_wait3A_499] : memref<6x112xi32, #tpu.memory_space<vmem>> -> memref<1x112xi32, #tpu.memory_space<vmem>>
        %dma_wait3A_501 = tpu.memref_squeeze %dma_wait3A_500 : memref<1x112xi32, #tpu.memory_space<vmem>> -> memref<112xi32, #tpu.memory_space<vmem>>
        %dma_wait3A_502 = arith.constant 0 : i32
        %dma_wait3A_503 = arith.constant 0 : i32
        %dma_wait3A_504 = tpu.memref_slice %arg6[%dma_wait3A_502, %dma_wait3A_503] : memref<10240x128xf32, #tpu.memory_space<vmem_shared>> -> memref<10240x128xf32, #tpu.memory_space<vmem_shared>>
        tpu.wait_indirect_dma semaphore(%arg12 : memref<!tpu.dma_semaphore, #tpu.memory_space<semaphore_mem>>) src(%dma_wait3A_498 : memref<112x128xf32, #tpu.memory_space<vmem>>) dst(%dma_wait3A_504 : memref<10240x128xf32, #tpu.memory_space<vmem_shared>>)
        %add3A_505 = arith.constant 6 : i32
        %add3A_506 = arith.addi %add3A_349, %add3A_505 : i32
        %sub3A_507 = arith.constant 2 : i32
        %sub3A_508 = arith.subi %add3A_506, %sub3A_507 : i32
        %lt3A = arith.constant 90 : i32
        %lt3A_509 = arith.cmpi slt, %sub3A_508, %lt3A : i32
        %convert_element_type3A_510 = arith.extui %lt3A_509 : i1 to i32
        %cond3A_511 = arith.constant 0 : i32
        %cond3A_512 = arith.cmpi ne, %convert_element_type3A_510, %cond3A_511 : i32
        scf.if %cond3A_512 {
          %add3A_513 = arith.constant 6 : i32
          %add3A_514 = arith.addi %add3A_349, %add3A_513 : i32
          %sub3A_515 = arith.constant 2 : i32
          %sub3A_516 = arith.subi %add3A_514, %sub3A_515 : i32
          %mul3A_517 = arith.constant 112 : i32
          %mul3A_518 = arith.muli %sub3A_516, %mul3A_517 : i32
          %add3A_519 = arith.addi %mul3A_2, %mul3A_518 : i32
          %mul3A_520 = arith.constant 112 : i32
          %mul3A_521 = arith.muli %sub3A_516, %mul3A_520 : i32
          %add3A_522 = arith.addi %mul3A_2, %mul3A_521 : i32
          %dma_start3A_523 = arith.constant 1 : i32
          %dma_start3A_524 = arith.constant 0 : i32
          %dma_start3A_525 = tpu.memref_slice %arg7[%dma_start3A_523, %dma_start3A_524] : memref<6x112xi32, #tpu.memory_space<vmem>> -> memref<1x112xi32, #tpu.memory_space<vmem>>
          %dma_start3A_526 = tpu.memref_squeeze %dma_start3A_525 : memref<1x112xi32, #tpu.memory_space<vmem>> -> memref<112xi32, #tpu.memory_space<vmem>>
          %dma_start3A_527 = tpu.memref_slice %arg3[%add3A_519] : memref<322560xi32, #tpu.memory_space<hbm>> -> memref<112xi32, #tpu.memory_space<hbm>>
          %dma_start3A_528 = arith.constant 0 : i32
          %dma_start3A_529 = tpu.memref_slice %arg7[%dma_start3A_523, %dma_start3A_528] : memref<6x112xi32, #tpu.memory_space<vmem>> -> memref<1x112xi32, #tpu.memory_space<vmem>>
          %dma_start3A_530 = tpu.memref_squeeze %dma_start3A_529 : memref<1x112xi32, #tpu.memory_space<vmem>> -> memref<112xi32, #tpu.memory_space<vmem>>
          %dma_start3A_531 = tpu.memref_slice %arg3[%add3A_519] : memref<322560xi32, #tpu.memory_space<hbm>> -> memref<112xi32, #tpu.memory_space<hbm>>
          tpu.enqueue_dma source(%dma_start3A_531 : memref<112xi32, #tpu.memory_space<hbm>>) target(%dma_start3A_530 : memref<112xi32, #tpu.memory_space<vmem>>) target_semaphore(%arg10 : memref<!tpu.dma_semaphore, #tpu.memory_space<semaphore_mem>>)
          %dma_start3A_532 = arith.constant 1 : i32
          %dma_start3A_533 = arith.constant 0 : i32
          %dma_start3A_534 = tpu.memref_slice %arg8[%dma_start3A_532, %dma_start3A_533] : memref<6x112xi32, #tpu.memory_space<vmem>> -> memref<1x112xi32, #tpu.memory_space<vmem>>
          %dma_start3A_535 = tpu.memref_squeeze %dma_start3A_534 : memref<1x112xi32, #tpu.memory_space<vmem>> -> memref<112xi32, #tpu.memory_space<vmem>>
          %dma_start3A_536 = tpu.memref_slice %arg4[%add3A_522] : memref<322560xi32, #tpu.memory_space<hbm>> -> memref<112xi32, #tpu.memory_space<hbm>>
          %dma_start3A_537 = arith.constant 0 : i32
          %dma_start3A_538 = tpu.memref_slice %arg8[%dma_start3A_532, %dma_start3A_537] : memref<6x112xi32, #tpu.memory_space<vmem>> -> memref<1x112xi32, #tpu.memory_space<vmem>>
          %dma_start3A_539 = tpu.memref_squeeze %dma_start3A_538 : memref<1x112xi32, #tpu.memory_space<vmem>> -> memref<112xi32, #tpu.memory_space<vmem>>
          %dma_start3A_540 = tpu.memref_slice %arg4[%add3A_522] : memref<322560xi32, #tpu.memory_space<hbm>> -> memref<112xi32, #tpu.memory_space<hbm>>
          tpu.enqueue_dma source(%dma_start3A_540 : memref<112xi32, #tpu.memory_space<hbm>>) target(%dma_start3A_539 : memref<112xi32, #tpu.memory_space<vmem>>) target_semaphore(%arg10 : memref<!tpu.dma_semaphore, #tpu.memory_space<semaphore_mem>>)
        } else {
        }
      } else {
      }
      %add3A_396 = arith.constant 4 : i32
      %add3A_397 = arith.addi %add3A_206, %add3A_396 : i32
      %mul3A_398 = arith.constant 112 : i32
      %mul3A_399 = arith.muli %add3A_397, %mul3A_398 : i32
      %add3A_400 = arith.addi %mul3A_2, %mul3A_399 : i32
      %mul3A_401 = arith.constant 112 : i32
      %mul3A_402 = arith.muli %add3A_397, %mul3A_401 : i32
      %add3A_403 = arith.addi %mul3A_2, %mul3A_402 : i32
      %dma_wait3A_404 = arith.constant 4 : i32
      %dma_wait3A_405 = arith.constant 0 : i32
      %dma_wait3A_406 = tpu.memref_slice %arg7[%dma_wait3A_404, %dma_wait3A_405] : memref<6x112xi32, #tpu.memory_space<vmem>> -> memref<1x112xi32, #tpu.memory_space<vmem>>
      %dma_wait3A_407 = tpu.memref_squeeze %dma_wait3A_406 : memref<1x112xi32, #tpu.memory_space<vmem>> -> memref<112xi32, #tpu.memory_space<vmem>>
      %dma_wait3A_408 = tpu.memref_slice %arg3[%add3A_400] : memref<322560xi32, #tpu.memory_space<hbm>> -> memref<112xi32, #tpu.memory_space<hbm>>
      %dma_wait3A_409 = arith.constant 0 : i32
      %dma_wait3A_410 = tpu.memref_slice %arg7[%dma_wait3A_404, %dma_wait3A_409] : memref<6x112xi32, #tpu.memory_space<vmem>> -> memref<1x112xi32, #tpu.memory_space<vmem>>
      %dma_wait3A_411 = tpu.memref_squeeze %dma_wait3A_410 : memref<1x112xi32, #tpu.memory_space<vmem>> -> memref<112xi32, #tpu.memory_space<vmem>>
      %dma_wait3A_412 = tpu.memref_slice %arg3[%add3A_400] : memref<322560xi32, #tpu.memory_space<hbm>> -> memref<112xi32, #tpu.memory_space<hbm>>
      tpu.wait_dma2 semaphore(%arg10 : memref<!tpu.dma_semaphore, #tpu.memory_space<semaphore_mem>>) src(%dma_wait3A_412 : memref<112xi32, #tpu.memory_space<hbm>>) dst(%dma_wait3A_411 : memref<112xi32, #tpu.memory_space<vmem>>)
      %dma_wait3A_413 = arith.constant 4 : i32
      %dma_wait3A_414 = arith.constant 0 : i32
      %dma_wait3A_415 = tpu.memref_slice %arg8[%dma_wait3A_413, %dma_wait3A_414] : memref<6x112xi32, #tpu.memory_space<vmem>> -> memref<1x112xi32, #tpu.memory_space<vmem>>
      %dma_wait3A_416 = tpu.memref_squeeze %dma_wait3A_415 : memref<1x112xi32, #tpu.memory_space<vmem>> -> memref<112xi32, #tpu.memory_space<vmem>>
      %dma_wait3A_417 = tpu.memref_slice %arg4[%add3A_403] : memref<322560xi32, #tpu.memory_space<hbm>> -> memref<112xi32, #tpu.memory_space<hbm>>
      %dma_wait3A_418 = arith.constant 0 : i32
      %dma_wait3A_419 = tpu.memref_slice %arg8[%dma_wait3A_413, %dma_wait3A_418] : memref<6x112xi32, #tpu.memory_space<vmem>> -> memref<1x112xi32, #tpu.memory_space<vmem>>
      %dma_wait3A_420 = tpu.memref_squeeze %dma_wait3A_419 : memref<1x112xi32, #tpu.memory_space<vmem>> -> memref<112xi32, #tpu.memory_space<vmem>>
      %dma_wait3A_421 = tpu.memref_slice %arg4[%add3A_403] : memref<322560xi32, #tpu.memory_space<hbm>> -> memref<112xi32, #tpu.memory_space<hbm>>
      tpu.wait_dma2 semaphore(%arg10 : memref<!tpu.dma_semaphore, #tpu.memory_space<semaphore_mem>>) src(%dma_wait3A_421 : memref<112xi32, #tpu.memory_space<hbm>>) dst(%dma_wait3A_420 : memref<112xi32, #tpu.memory_space<vmem>>)
      %dma_start3A_422 = arith.constant 4 : i32
      %dma_start3A_423 = arith.constant 1 : i32
      %dma_start3A_424 = arith.constant 0 : i32
      %dma_start3A_425 = arith.constant 0 : i32
      %dma_start3A_426 = tpu.memref_slice %arg9[%dma_start3A_423, %dma_start3A_424, %dma_start3A_425] : memref<3x112x128xf32, #tpu.memory_space<vmem>> -> memref<1x112x128xf32, #tpu.memory_space<vmem>>
      %dma_start3A_427 = tpu.memref_squeeze %dma_start3A_426 : memref<1x112x128xf32, #tpu.memory_space<vmem>> -> memref<112x128xf32, #tpu.memory_space<vmem>>
      %dma_start3A_428 = arith.constant 0 : i32
      %dma_start3A_429 = tpu.memref_slice %arg7[%dma_start3A_422, %dma_start3A_428] : memref<6x112xi32, #tpu.memory_space<vmem>> -> memref<1x112xi32, #tpu.memory_space<vmem>>
      %dma_start3A_430 = tpu.memref_squeeze %dma_start3A_429 : memref<1x112xi32, #tpu.memory_space<vmem>> -> memref<112xi32, #tpu.memory_space<vmem>>
      %dma_start3A_431 = arith.constant 0 : i32
      %dma_start3A_432 = arith.constant 0 : i32
      %dma_start3A_433 = tpu.memref_slice %arg2[%dma_start3A_431, %dma_start3A_432] : memref<10000x128xf32, #tpu.memory_space<hbm>> -> memref<10000x128xf32, #tpu.memory_space<hbm>>
      tpu.enqueue_indirect_dma source(%dma_start3A_433 : memref<10000x128xf32, #tpu.memory_space<hbm>>) target(%dma_start3A_427 : memref<112x128xf32, #tpu.memory_space<vmem>>) offsets(%dma_start3A_430 : memref<112xi32, #tpu.memory_space<vmem>>) semaphore(%arg11 : memref<!tpu.dma_semaphore, #tpu.memory_space<semaphore_mem>>)
      %ge3A_434 = arith.constant 1 : i32
      %ge3A_435 = arith.cmpi sge, %add3A_397, %ge3A_434 : i32
      %convert_element_type3A_436 = arith.extui %ge3A_435 : i1 to i32
      %cond3A_437 = arith.constant 0 : i32
      %cond3A_438 = arith.cmpi ne, %convert_element_type3A_436, %cond3A_437 : i32
      scf.if %cond3A_438 {
        %sub3A = arith.constant 1 : i32
        %sub3A_492 = arith.subi %add3A_397, %sub3A : i32
        %dma_wait3A_493 = arith.constant 3 : i32
        %dma_wait3A_494 = arith.constant 0 : i32
        %dma_wait3A_495 = arith.constant 0 : i32
        %dma_wait3A_496 = arith.constant 0 : i32
        %dma_wait3A_497 = tpu.memref_slice %arg9[%dma_wait3A_494, %dma_wait3A_495, %dma_wait3A_496] : memref<3x112x128xf32, #tpu.memory_space<vmem>> -> memref<1x112x128xf32, #tpu.memory_space<vmem>>
        %dma_wait3A_498 = tpu.memref_squeeze %dma_wait3A_497 : memref<1x112x128xf32, #tpu.memory_space<vmem>> -> memref<112x128xf32, #tpu.memory_space<vmem>>
        %dma_wait3A_499 = arith.constant 0 : i32
        %dma_wait3A_500 = tpu.memref_slice %arg7[%dma_wait3A_493, %dma_wait3A_499] : memref<6x112xi32, #tpu.memory_space<vmem>> -> memref<1x112xi32, #tpu.memory_space<vmem>>
        %dma_wait3A_501 = tpu.memref_squeeze %dma_wait3A_500 : memref<1x112xi32, #tpu.memory_space<vmem>> -> memref<112xi32, #tpu.memory_space<vmem>>
        %dma_wait3A_502 = arith.constant 0 : i32
        %dma_wait3A_503 = arith.constant 0 : i32
        %dma_wait3A_504 = tpu.memref_slice %arg2[%dma_wait3A_502, %dma_wait3A_503] : memref<10000x128xf32, #tpu.memory_space<hbm>> -> memref<10000x128xf32, #tpu.memory_space<hbm>>
        tpu.wait_indirect_dma semaphore(%arg11 : memref<!tpu.dma_semaphore, #tpu.memory_space<semaphore_mem>>) src(%dma_wait3A_504 : memref<10000x128xf32, #tpu.memory_space<hbm>>) dst(%dma_wait3A_498 : memref<112x128xf32, #tpu.memory_space<vmem>>)
        %dma_start3A_505 = arith.constant 0 : i32
        %dma_start3A_506 = arith.constant 3 : i32
        %dma_start3A_507 = arith.constant 0 : i32
        %dma_start3A_508 = arith.constant 0 : i32
        %dma_start3A_509 = tpu.memref_slice %arg9[%dma_start3A_505, %dma_start3A_507, %dma_start3A_508] : memref<3x112x128xf32, #tpu.memory_space<vmem>> -> memref<1x112x128xf32, #tpu.memory_space<vmem>>
        %dma_start3A_510 = tpu.memref_squeeze %dma_start3A_509 : memref<1x112x128xf32, #tpu.memory_space<vmem>> -> memref<112x128xf32, #tpu.memory_space<vmem>>
        %dma_start3A_511 = arith.constant 0 : i32
        %dma_start3A_512 = tpu.memref_slice %arg8[%dma_start3A_506, %dma_start3A_511] : memref<6x112xi32, #tpu.memory_space<vmem>> -> memref<1x112xi32, #tpu.memory_space<vmem>>
        %dma_start3A_513 = tpu.memref_squeeze %dma_start3A_512 : memref<1x112xi32, #tpu.memory_space<vmem>> -> memref<112xi32, #tpu.memory_space<vmem>>
        %dma_start3A_514 = arith.constant 0 : i32
        %dma_start3A_515 = arith.constant 0 : i32
        %dma_start3A_516 = tpu.memref_slice %arg6[%dma_start3A_514, %dma_start3A_515] : memref<10240x128xf32, #tpu.memory_space<vmem_shared>> -> memref<10240x128xf32, #tpu.memory_space<vmem_shared>>
        tpu.enqueue_indirect_dma source(%dma_start3A_510 : memref<112x128xf32, #tpu.memory_space<vmem>>) target(%dma_start3A_516 : memref<10240x128xf32, #tpu.memory_space<vmem_shared>>) offsets(%dma_start3A_513 : memref<112xi32, #tpu.memory_space<vmem>>) semaphore(%arg12 : memref<!tpu.dma_semaphore, #tpu.memory_space<semaphore_mem>>) {add = true}
      } else {
      }
      %ge3A_439 = arith.constant 2 : i32
      %ge3A_440 = arith.cmpi sge, %add3A_397, %ge3A_439 : i32
      %convert_element_type3A_441 = arith.extui %ge3A_440 : i1 to i32
      %cond3A_442 = arith.constant 0 : i32
      %cond3A_443 = arith.cmpi ne, %convert_element_type3A_441, %cond3A_442 : i32
      scf.if %cond3A_443 {
        %sub3A = arith.constant 2 : i32
        %sub3A_492 = arith.subi %add3A_397, %sub3A : i32
        %dma_wait3A_493 = arith.constant 2 : i32
        %dma_wait3A_494 = arith.constant 2 : i32
        %dma_wait3A_495 = arith.constant 0 : i32
        %dma_wait3A_496 = arith.constant 0 : i32
        %dma_wait3A_497 = tpu.memref_slice %arg9[%dma_wait3A_493, %dma_wait3A_495, %dma_wait3A_496] : memref<3x112x128xf32, #tpu.memory_space<vmem>> -> memref<1x112x128xf32, #tpu.memory_space<vmem>>
        %dma_wait3A_498 = tpu.memref_squeeze %dma_wait3A_497 : memref<1x112x128xf32, #tpu.memory_space<vmem>> -> memref<112x128xf32, #tpu.memory_space<vmem>>
        %dma_wait3A_499 = arith.constant 0 : i32
        %dma_wait3A_500 = tpu.memref_slice %arg8[%dma_wait3A_494, %dma_wait3A_499] : memref<6x112xi32, #tpu.memory_space<vmem>> -> memref<1x112xi32, #tpu.memory_space<vmem>>
        %dma_wait3A_501 = tpu.memref_squeeze %dma_wait3A_500 : memref<1x112xi32, #tpu.memory_space<vmem>> -> memref<112xi32, #tpu.memory_space<vmem>>
        %dma_wait3A_502 = arith.constant 0 : i32
        %dma_wait3A_503 = arith.constant 0 : i32
        %dma_wait3A_504 = tpu.memref_slice %arg6[%dma_wait3A_502, %dma_wait3A_503] : memref<10240x128xf32, #tpu.memory_space<vmem_shared>> -> memref<10240x128xf32, #tpu.memory_space<vmem_shared>>
        tpu.wait_indirect_dma semaphore(%arg12 : memref<!tpu.dma_semaphore, #tpu.memory_space<semaphore_mem>>) src(%dma_wait3A_498 : memref<112x128xf32, #tpu.memory_space<vmem>>) dst(%dma_wait3A_504 : memref<10240x128xf32, #tpu.memory_space<vmem_shared>>)
        %add3A_505 = arith.constant 6 : i32
        %add3A_506 = arith.addi %add3A_397, %add3A_505 : i32
        %sub3A_507 = arith.constant 2 : i32
        %sub3A_508 = arith.subi %add3A_506, %sub3A_507 : i32
        %lt3A = arith.constant 90 : i32
        %lt3A_509 = arith.cmpi slt, %sub3A_508, %lt3A : i32
        %convert_element_type3A_510 = arith.extui %lt3A_509 : i1 to i32
        %cond3A_511 = arith.constant 0 : i32
        %cond3A_512 = arith.cmpi ne, %convert_element_type3A_510, %cond3A_511 : i32
        scf.if %cond3A_512 {
          %add3A_513 = arith.constant 6 : i32
          %add3A_514 = arith.addi %add3A_397, %add3A_513 : i32
          %sub3A_515 = arith.constant 2 : i32
          %sub3A_516 = arith.subi %add3A_514, %sub3A_515 : i32
          %mul3A_517 = arith.constant 112 : i32
          %mul3A_518 = arith.muli %sub3A_516, %mul3A_517 : i32
          %add3A_519 = arith.addi %mul3A_2, %mul3A_518 : i32
          %mul3A_520 = arith.constant 112 : i32
          %mul3A_521 = arith.muli %sub3A_516, %mul3A_520 : i32
          %add3A_522 = arith.addi %mul3A_2, %mul3A_521 : i32
          %dma_start3A_523 = arith.constant 2 : i32
          %dma_start3A_524 = arith.constant 0 : i32
          %dma_start3A_525 = tpu.memref_slice %arg7[%dma_start3A_523, %dma_start3A_524] : memref<6x112xi32, #tpu.memory_space<vmem>> -> memref<1x112xi32, #tpu.memory_space<vmem>>
          %dma_start3A_526 = tpu.memref_squeeze %dma_start3A_525 : memref<1x112xi32, #tpu.memory_space<vmem>> -> memref<112xi32, #tpu.memory_space<vmem>>
          %dma_start3A_527 = tpu.memref_slice %arg3[%add3A_519] : memref<322560xi32, #tpu.memory_space<hbm>> -> memref<112xi32, #tpu.memory_space<hbm>>
          %dma_start3A_528 = arith.constant 0 : i32
          %dma_start3A_529 = tpu.memref_slice %arg7[%dma_start3A_523, %dma_start3A_528] : memref<6x112xi32, #tpu.memory_space<vmem>> -> memref<1x112xi32, #tpu.memory_space<vmem>>
          %dma_start3A_530 = tpu.memref_squeeze %dma_start3A_529 : memref<1x112xi32, #tpu.memory_space<vmem>> -> memref<112xi32, #tpu.memory_space<vmem>>
          %dma_start3A_531 = tpu.memref_slice %arg3[%add3A_519] : memref<322560xi32, #tpu.memory_space<hbm>> -> memref<112xi32, #tpu.memory_space<hbm>>
          tpu.enqueue_dma source(%dma_start3A_531 : memref<112xi32, #tpu.memory_space<hbm>>) target(%dma_start3A_530 : memref<112xi32, #tpu.memory_space<vmem>>) target_semaphore(%arg10 : memref<!tpu.dma_semaphore, #tpu.memory_space<semaphore_mem>>)
          %dma_start3A_532 = arith.constant 2 : i32
          %dma_start3A_533 = arith.constant 0 : i32
          %dma_start3A_534 = tpu.memref_slice %arg8[%dma_start3A_532, %dma_start3A_533] : memref<6x112xi32, #tpu.memory_space<vmem>> -> memref<1x112xi32, #tpu.memory_space<vmem>>
          %dma_start3A_535 = tpu.memref_squeeze %dma_start3A_534 : memref<1x112xi32, #tpu.memory_space<vmem>> -> memref<112xi32, #tpu.memory_space<vmem>>
          %dma_start3A_536 = tpu.memref_slice %arg4[%add3A_522] : memref<322560xi32, #tpu.memory_space<hbm>> -> memref<112xi32, #tpu.memory_space<hbm>>
          %dma_start3A_537 = arith.constant 0 : i32
          %dma_start3A_538 = tpu.memref_slice %arg8[%dma_start3A_532, %dma_start3A_537] : memref<6x112xi32, #tpu.memory_space<vmem>> -> memref<1x112xi32, #tpu.memory_space<vmem>>
          %dma_start3A_539 = tpu.memref_squeeze %dma_start3A_538 : memref<1x112xi32, #tpu.memory_space<vmem>> -> memref<112xi32, #tpu.memory_space<vmem>>
          %dma_start3A_540 = tpu.memref_slice %arg4[%add3A_522] : memref<322560xi32, #tpu.memory_space<hbm>> -> memref<112xi32, #tpu.memory_space<hbm>>
          tpu.enqueue_dma source(%dma_start3A_540 : memref<112xi32, #tpu.memory_space<hbm>>) target(%dma_start3A_539 : memref<112xi32, #tpu.memory_space<vmem>>) target_semaphore(%arg10 : memref<!tpu.dma_semaphore, #tpu.memory_space<semaphore_mem>>)
        } else {
        }
      } else {
      }
      %add3A_444 = arith.constant 5 : i32
      %add3A_445 = arith.addi %add3A_206, %add3A_444 : i32
      %mul3A_446 = arith.constant 112 : i32
      %mul3A_447 = arith.muli %add3A_445, %mul3A_446 : i32
      %add3A_448 = arith.addi %mul3A_2, %mul3A_447 : i32
      %mul3A_449 = arith.constant 112 : i32
      %mul3A_450 = arith.muli %add3A_445, %mul3A_449 : i32
      %add3A_451 = arith.addi %mul3A_2, %mul3A_450 : i32
      %dma_wait3A_452 = arith.constant 5 : i32
      %dma_wait3A_453 = arith.constant 0 : i32
      %dma_wait3A_454 = tpu.memref_slice %arg7[%dma_wait3A_452, %dma_wait3A_453] : memref<6x112xi32, #tpu.memory_space<vmem>> -> memref<1x112xi32, #tpu.memory_space<vmem>>
      %dma_wait3A_455 = tpu.memref_squeeze %dma_wait3A_454 : memref<1x112xi32, #tpu.memory_space<vmem>> -> memref<112xi32, #tpu.memory_space<vmem>>
      %dma_wait3A_456 = tpu.memref_slice %arg3[%add3A_448] : memref<322560xi32, #tpu.memory_space<hbm>> -> memref<112xi32, #tpu.memory_space<hbm>>
      %dma_wait3A_457 = arith.constant 0 : i32
      %dma_wait3A_458 = tpu.memref_slice %arg7[%dma_wait3A_452, %dma_wait3A_457] : memref<6x112xi32, #tpu.memory_space<vmem>> -> memref<1x112xi32, #tpu.memory_space<vmem>>
      %dma_wait3A_459 = tpu.memref_squeeze %dma_wait3A_458 : memref<1x112xi32, #tpu.memory_space<vmem>> -> memref<112xi32, #tpu.memory_space<vmem>>
      %dma_wait3A_460 = tpu.memref_slice %arg3[%add3A_448] : memref<322560xi32, #tpu.memory_space<hbm>> -> memref<112xi32, #tpu.memory_space<hbm>>
      tpu.wait_dma2 semaphore(%arg10 : memref<!tpu.dma_semaphore, #tpu.memory_space<semaphore_mem>>) src(%dma_wait3A_460 : memref<112xi32, #tpu.memory_space<hbm>>) dst(%dma_wait3A_459 : memref<112xi32, #tpu.memory_space<vmem>>)
      %dma_wait3A_461 = arith.constant 5 : i32
      %dma_wait3A_462 = arith.constant 0 : i32
      %dma_wait3A_463 = tpu.memref_slice %arg8[%dma_wait3A_461, %dma_wait3A_462] : memref<6x112xi32, #tpu.memory_space<vmem>> -> memref<1x112xi32, #tpu.memory_space<vmem>>
      %dma_wait3A_464 = tpu.memref_squeeze %dma_wait3A_463 : memref<1x112xi32, #tpu.memory_space<vmem>> -> memref<112xi32, #tpu.memory_space<vmem>>
      %dma_wait3A_465 = tpu.memref_slice %arg4[%add3A_451] : memref<322560xi32, #tpu.memory_space<hbm>> -> memref<112xi32, #tpu.memory_space<hbm>>
      %dma_wait3A_466 = arith.constant 0 : i32
      %dma_wait3A_467 = tpu.memref_slice %arg8[%dma_wait3A_461, %dma_wait3A_466] : memref<6x112xi32, #tpu.memory_space<vmem>> -> memref<1x112xi32, #tpu.memory_space<vmem>>
      %dma_wait3A_468 = tpu.memref_squeeze %dma_wait3A_467 : memref<1x112xi32, #tpu.memory_space<vmem>> -> memref<112xi32, #tpu.memory_space<vmem>>
      %dma_wait3A_469 = tpu.memref_slice %arg4[%add3A_451] : memref<322560xi32, #tpu.memory_space<hbm>> -> memref<112xi32, #tpu.memory_space<hbm>>
      tpu.wait_dma2 semaphore(%arg10 : memref<!tpu.dma_semaphore, #tpu.memory_space<semaphore_mem>>) src(%dma_wait3A_469 : memref<112xi32, #tpu.memory_space<hbm>>) dst(%dma_wait3A_468 : memref<112xi32, #tpu.memory_space<vmem>>)
      %dma_start3A_470 = arith.constant 5 : i32
      %dma_start3A_471 = arith.constant 2 : i32
      %dma_start3A_472 = arith.constant 0 : i32
      %dma_start3A_473 = arith.constant 0 : i32
      %dma_start3A_474 = tpu.memref_slice %arg9[%dma_start3A_471, %dma_start3A_472, %dma_start3A_473] : memref<3x112x128xf32, #tpu.memory_space<vmem>> -> memref<1x112x128xf32, #tpu.memory_space<vmem>>
      %dma_start3A_475 = tpu.memref_squeeze %dma_start3A_474 : memref<1x112x128xf32, #tpu.memory_space<vmem>> -> memref<112x128xf32, #tpu.memory_space<vmem>>
      %dma_start3A_476 = arith.constant 0 : i32
      %dma_start3A_477 = tpu.memref_slice %arg7[%dma_start3A_470, %dma_start3A_476] : memref<6x112xi32, #tpu.memory_space<vmem>> -> memref<1x112xi32, #tpu.memory_space<vmem>>
      %dma_start3A_478 = tpu.memref_squeeze %dma_start3A_477 : memref<1x112xi32, #tpu.memory_space<vmem>> -> memref<112xi32, #tpu.memory_space<vmem>>
      %dma_start3A_479 = arith.constant 0 : i32
      %dma_start3A_480 = arith.constant 0 : i32
      %dma_start3A_481 = tpu.memref_slice %arg2[%dma_start3A_479, %dma_start3A_480] : memref<10000x128xf32, #tpu.memory_space<hbm>> -> memref<10000x128xf32, #tpu.memory_space<hbm>>
      tpu.enqueue_indirect_dma source(%dma_start3A_481 : memref<10000x128xf32, #tpu.memory_space<hbm>>) target(%dma_start3A_475 : memref<112x128xf32, #tpu.memory_space<vmem>>) offsets(%dma_start3A_478 : memref<112xi32, #tpu.memory_space<vmem>>) semaphore(%arg11 : memref<!tpu.dma_semaphore, #tpu.memory_space<semaphore_mem>>)
      %ge3A_482 = arith.constant 1 : i32
      %ge3A_483 = arith.cmpi sge, %add3A_445, %ge3A_482 : i32
      %convert_element_type3A_484 = arith.extui %ge3A_483 : i1 to i32
      %cond3A_485 = arith.constant 0 : i32
      %cond3A_486 = arith.cmpi ne, %convert_element_type3A_484, %cond3A_485 : i32
      scf.if %cond3A_486 {
        %sub3A = arith.constant 1 : i32
        %sub3A_492 = arith.subi %add3A_445, %sub3A : i32
        %dma_wait3A_493 = arith.constant 4 : i32
        %dma_wait3A_494 = arith.constant 1 : i32
        %dma_wait3A_495 = arith.constant 0 : i32
        %dma_wait3A_496 = arith.constant 0 : i32
        %dma_wait3A_497 = tpu.memref_slice %arg9[%dma_wait3A_494, %dma_wait3A_495, %dma_wait3A_496] : memref<3x112x128xf32, #tpu.memory_space<vmem>> -> memref<1x112x128xf32, #tpu.memory_space<vmem>>
        %dma_wait3A_498 = tpu.memref_squeeze %dma_wait3A_497 : memref<1x112x128xf32, #tpu.memory_space<vmem>> -> memref<112x128xf32, #tpu.memory_space<vmem>>
        %dma_wait3A_499 = arith.constant 0 : i32
        %dma_wait3A_500 = tpu.memref_slice %arg7[%dma_wait3A_493, %dma_wait3A_499] : memref<6x112xi32, #tpu.memory_space<vmem>> -> memref<1x112xi32, #tpu.memory_space<vmem>>
        %dma_wait3A_501 = tpu.memref_squeeze %dma_wait3A_500 : memref<1x112xi32, #tpu.memory_space<vmem>> -> memref<112xi32, #tpu.memory_space<vmem>>
        %dma_wait3A_502 = arith.constant 0 : i32
        %dma_wait3A_503 = arith.constant 0 : i32
        %dma_wait3A_504 = tpu.memref_slice %arg2[%dma_wait3A_502, %dma_wait3A_503] : memref<10000x128xf32, #tpu.memory_space<hbm>> -> memref<10000x128xf32, #tpu.memory_space<hbm>>
        tpu.wait_indirect_dma semaphore(%arg11 : memref<!tpu.dma_semaphore, #tpu.memory_space<semaphore_mem>>) src(%dma_wait3A_504 : memref<10000x128xf32, #tpu.memory_space<hbm>>) dst(%dma_wait3A_498 : memref<112x128xf32, #tpu.memory_space<vmem>>)
        %dma_start3A_505 = arith.constant 1 : i32
        %dma_start3A_506 = arith.constant 4 : i32
        %dma_start3A_507 = arith.constant 0 : i32
        %dma_start3A_508 = arith.constant 0 : i32
        %dma_start3A_509 = tpu.memref_slice %arg9[%dma_start3A_505, %dma_start3A_507, %dma_start3A_508] : memref<3x112x128xf32, #tpu.memory_space<vmem>> -> memref<1x112x128xf32, #tpu.memory_space<vmem>>
        %dma_start3A_510 = tpu.memref_squeeze %dma_start3A_509 : memref<1x112x128xf32, #tpu.memory_space<vmem>> -> memref<112x128xf32, #tpu.memory_space<vmem>>
        %dma_start3A_511 = arith.constant 0 : i32
        %dma_start3A_512 = tpu.memref_slice %arg8[%dma_start3A_506, %dma_start3A_511] : memref<6x112xi32, #tpu.memory_space<vmem>> -> memref<1x112xi32, #tpu.memory_space<vmem>>
        %dma_start3A_513 = tpu.memref_squeeze %dma_start3A_512 : memref<1x112xi32, #tpu.memory_space<vmem>> -> memref<112xi32, #tpu.memory_space<vmem>>
        %dma_start3A_514 = arith.constant 0 : i32
        %dma_start3A_515 = arith.constant 0 : i32
        %dma_start3A_516 = tpu.memref_slice %arg6[%dma_start3A_514, %dma_start3A_515] : memref<10240x128xf32, #tpu.memory_space<vmem_shared>> -> memref<10240x128xf32, #tpu.memory_space<vmem_shared>>
        tpu.enqueue_indirect_dma source(%dma_start3A_510 : memref<112x128xf32, #tpu.memory_space<vmem>>) target(%dma_start3A_516 : memref<10240x128xf32, #tpu.memory_space<vmem_shared>>) offsets(%dma_start3A_513 : memref<112xi32, #tpu.memory_space<vmem>>) semaphore(%arg12 : memref<!tpu.dma_semaphore, #tpu.memory_space<semaphore_mem>>) {add = true}
      } else {
      }
      %ge3A_487 = arith.constant 2 : i32
      %ge3A_488 = arith.cmpi sge, %add3A_445, %ge3A_487 : i32
      %convert_element_type3A_489 = arith.extui %ge3A_488 : i1 to i32
      %cond3A_490 = arith.constant 0 : i32
      %cond3A_491 = arith.cmpi ne, %convert_element_type3A_489, %cond3A_490 : i32
      scf.if %cond3A_491 {
        %sub3A = arith.constant 2 : i32
        %sub3A_492 = arith.subi %add3A_445, %sub3A : i32
        %dma_wait3A_493 = arith.constant 0 : i32
        %dma_wait3A_494 = arith.constant 3 : i32
        %dma_wait3A_495 = arith.constant 0 : i32
        %dma_wait3A_496 = arith.constant 0 : i32
        %dma_wait3A_497 = tpu.memref_slice %arg9[%dma_wait3A_493, %dma_wait3A_495, %dma_wait3A_496] : memref<3x112x128xf32, #tpu.memory_space<vmem>> -> memref<1x112x128xf32, #tpu.memory_space<vmem>>
        %dma_wait3A_498 = tpu.memref_squeeze %dma_wait3A_497 : memref<1x112x128xf32, #tpu.memory_space<vmem>> -> memref<112x128xf32, #tpu.memory_space<vmem>>
        %dma_wait3A_499 = arith.constant 0 : i32
        %dma_wait3A_500 = tpu.memref_slice %arg8[%dma_wait3A_494, %dma_wait3A_499] : memref<6x112xi32, #tpu.memory_space<vmem>> -> memref<1x112xi32, #tpu.memory_space<vmem>>
        %dma_wait3A_501 = tpu.memref_squeeze %dma_wait3A_500 : memref<1x112xi32, #tpu.memory_space<vmem>> -> memref<112xi32, #tpu.memory_space<vmem>>
        %dma_wait3A_502 = arith.constant 0 : i32
        %dma_wait3A_503 = arith.constant 0 : i32
        %dma_wait3A_504 = tpu.memref_slice %arg6[%dma_wait3A_502, %dma_wait3A_503] : memref<10240x128xf32, #tpu.memory_space<vmem_shared>> -> memref<10240x128xf32, #tpu.memory_space<vmem_shared>>
        tpu.wait_indirect_dma semaphore(%arg12 : memref<!tpu.dma_semaphore, #tpu.memory_space<semaphore_mem>>) src(%dma_wait3A_498 : memref<112x128xf32, #tpu.memory_space<vmem>>) dst(%dma_wait3A_504 : memref<10240x128xf32, #tpu.memory_space<vmem_shared>>)
        %add3A_505 = arith.constant 6 : i32
        %add3A_506 = arith.addi %add3A_445, %add3A_505 : i32
        %sub3A_507 = arith.constant 2 : i32
        %sub3A_508 = arith.subi %add3A_506, %sub3A_507 : i32
        %lt3A = arith.constant 90 : i32
        %lt3A_509 = arith.cmpi slt, %sub3A_508, %lt3A : i32
        %convert_element_type3A_510 = arith.extui %lt3A_509 : i1 to i32
        %cond3A_511 = arith.constant 0 : i32
        %cond3A_512 = arith.cmpi ne, %convert_element_type3A_510, %cond3A_511 : i32
        scf.if %cond3A_512 {
          %add3A_513 = arith.constant 6 : i32
          %add3A_514 = arith.addi %add3A_445, %add3A_513 : i32
          %sub3A_515 = arith.constant 2 : i32
          %sub3A_516 = arith.subi %add3A_514, %sub3A_515 : i32
          %mul3A_517 = arith.constant 112 : i32
          %mul3A_518 = arith.muli %sub3A_516, %mul3A_517 : i32
          %add3A_519 = arith.addi %mul3A_2, %mul3A_518 : i32
          %mul3A_520 = arith.constant 112 : i32
          %mul3A_521 = arith.muli %sub3A_516, %mul3A_520 : i32
          %add3A_522 = arith.addi %mul3A_2, %mul3A_521 : i32
          %dma_start3A_523 = arith.constant 3 : i32
          %dma_start3A_524 = arith.constant 0 : i32
          %dma_start3A_525 = tpu.memref_slice %arg7[%dma_start3A_523, %dma_start3A_524] : memref<6x112xi32, #tpu.memory_space<vmem>> -> memref<1x112xi32, #tpu.memory_space<vmem>>
          %dma_start3A_526 = tpu.memref_squeeze %dma_start3A_525 : memref<1x112xi32, #tpu.memory_space<vmem>> -> memref<112xi32, #tpu.memory_space<vmem>>
          %dma_start3A_527 = tpu.memref_slice %arg3[%add3A_519] : memref<322560xi32, #tpu.memory_space<hbm>> -> memref<112xi32, #tpu.memory_space<hbm>>
          %dma_start3A_528 = arith.constant 0 : i32
          %dma_start3A_529 = tpu.memref_slice %arg7[%dma_start3A_523, %dma_start3A_528] : memref<6x112xi32, #tpu.memory_space<vmem>> -> memref<1x112xi32, #tpu.memory_space<vmem>>
          %dma_start3A_530 = tpu.memref_squeeze %dma_start3A_529 : memref<1x112xi32, #tpu.memory_space<vmem>> -> memref<112xi32, #tpu.memory_space<vmem>>
          %dma_start3A_531 = tpu.memref_slice %arg3[%add3A_519] : memref<322560xi32, #tpu.memory_space<hbm>> -> memref<112xi32, #tpu.memory_space<hbm>>
          tpu.enqueue_dma source(%dma_start3A_531 : memref<112xi32, #tpu.memory_space<hbm>>) target(%dma_start3A_530 : memref<112xi32, #tpu.memory_space<vmem>>) target_semaphore(%arg10 : memref<!tpu.dma_semaphore, #tpu.memory_space<semaphore_mem>>)
          %dma_start3A_532 = arith.constant 3 : i32
          %dma_start3A_533 = arith.constant 0 : i32
          %dma_start3A_534 = tpu.memref_slice %arg8[%dma_start3A_532, %dma_start3A_533] : memref<6x112xi32, #tpu.memory_space<vmem>> -> memref<1x112xi32, #tpu.memory_space<vmem>>
          %dma_start3A_535 = tpu.memref_squeeze %dma_start3A_534 : memref<1x112xi32, #tpu.memory_space<vmem>> -> memref<112xi32, #tpu.memory_space<vmem>>
          %dma_start3A_536 = tpu.memref_slice %arg4[%add3A_522] : memref<322560xi32, #tpu.memory_space<hbm>> -> memref<112xi32, #tpu.memory_space<hbm>>
          %dma_start3A_537 = arith.constant 0 : i32
          %dma_start3A_538 = tpu.memref_slice %arg8[%dma_start3A_532, %dma_start3A_537] : memref<6x112xi32, #tpu.memory_space<vmem>> -> memref<1x112xi32, #tpu.memory_space<vmem>>
          %dma_start3A_539 = tpu.memref_squeeze %dma_start3A_538 : memref<1x112xi32, #tpu.memory_space<vmem>> -> memref<112xi32, #tpu.memory_space<vmem>>
          %dma_start3A_540 = tpu.memref_slice %arg4[%add3A_522] : memref<322560xi32, #tpu.memory_space<hbm>> -> memref<112xi32, #tpu.memory_space<hbm>>
          tpu.enqueue_dma source(%dma_start3A_540 : memref<112xi32, #tpu.memory_space<hbm>>) target(%dma_start3A_539 : memref<112xi32, #tpu.memory_space<vmem>>) target_semaphore(%arg10 : memref<!tpu.dma_semaphore, #tpu.memory_space<semaphore_mem>>)
        } else {
        }
      } else {
      }
    }
    %scan3A_148 = arith.constant 15 : i32
    %dma_wait3A = arith.constant 5 : i32
    %dma_wait3A_149 = arith.constant 2 : i32
    %dma_wait3A_150 = arith.constant 0 : i32
    %dma_wait3A_151 = arith.constant 0 : i32
    %dma_wait3A_152 = tpu.memref_slice %arg9[%dma_wait3A_149, %dma_wait3A_150, %dma_wait3A_151] : memref<3x112x128xf32, #tpu.memory_space<vmem>> -> memref<1x112x128xf32, #tpu.memory_space<vmem>>
    %dma_wait3A_153 = tpu.memref_squeeze %dma_wait3A_152 : memref<1x112x128xf32, #tpu.memory_space<vmem>> -> memref<112x128xf32, #tpu.memory_space<vmem>>
    %dma_wait3A_154 = arith.constant 0 : i32
    %dma_wait3A_155 = tpu.memref_slice %arg7[%dma_wait3A, %dma_wait3A_154] : memref<6x112xi32, #tpu.memory_space<vmem>> -> memref<1x112xi32, #tpu.memory_space<vmem>>
    %dma_wait3A_156 = tpu.memref_squeeze %dma_wait3A_155 : memref<1x112xi32, #tpu.memory_space<vmem>> -> memref<112xi32, #tpu.memory_space<vmem>>
    %dma_wait3A_157 = arith.constant 0 : i32
    %dma_wait3A_158 = arith.constant 0 : i32
    %dma_wait3A_159 = tpu.memref_slice %arg2[%dma_wait3A_157, %dma_wait3A_158] : memref<10000x128xf32, #tpu.memory_space<hbm>> -> memref<10000x128xf32, #tpu.memory_space<hbm>>
    tpu.wait_indirect_dma semaphore(%arg11 : memref<!tpu.dma_semaphore, #tpu.memory_space<semaphore_mem>>) src(%dma_wait3A_159 : memref<10000x128xf32, #tpu.memory_space<hbm>>) dst(%dma_wait3A_153 : memref<112x128xf32, #tpu.memory_space<vmem>>)
    %dma_start3A_160 = arith.constant 2 : i32
    %dma_start3A_161 = arith.constant 5 : i32
    %dma_start3A_162 = arith.constant 0 : i32
    %dma_start3A_163 = arith.constant 0 : i32
    %dma_start3A_164 = tpu.memref_slice %arg9[%dma_start3A_160, %dma_start3A_162, %dma_start3A_163] : memref<3x112x128xf32, #tpu.memory_space<vmem>> -> memref<1x112x128xf32, #tpu.memory_space<vmem>>
    %dma_start3A_165 = tpu.memref_squeeze %dma_start3A_164 : memref<1x112x128xf32, #tpu.memory_space<vmem>> -> memref<112x128xf32, #tpu.memory_space<vmem>>
    %dma_start3A_166 = arith.constant 0 : i32
    %dma_start3A_167 = tpu.memref_slice %arg8[%dma_start3A_161, %dma_start3A_166] : memref<6x112xi32, #tpu.memory_space<vmem>> -> memref<1x112xi32, #tpu.memory_space<vmem>>
    %dma_start3A_168 = tpu.memref_squeeze %dma_start3A_167 : memref<1x112xi32, #tpu.memory_space<vmem>> -> memref<112xi32, #tpu.memory_space<vmem>>
    %dma_start3A_169 = arith.constant 0 : i32
    %dma_start3A_170 = arith.constant 0 : i32
    %dma_start3A_171 = tpu.memref_slice %arg6[%dma_start3A_169, %dma_start3A_170] : memref<10240x128xf32, #tpu.memory_space<vmem_shared>> -> memref<10240x128xf32, #tpu.memory_space<vmem_shared>>
    tpu.enqueue_indirect_dma source(%dma_start3A_165 : memref<112x128xf32, #tpu.memory_space<vmem>>) target(%dma_start3A_171 : memref<10240x128xf32, #tpu.memory_space<vmem_shared>>) offsets(%dma_start3A_168 : memref<112xi32, #tpu.memory_space<vmem>>) semaphore(%arg12 : memref<!tpu.dma_semaphore, #tpu.memory_space<semaphore_mem>>) {add = true}
    %dma_wait3A_172 = arith.constant 1 : i32
    %dma_wait3A_173 = arith.constant 4 : i32
    %dma_wait3A_174 = arith.constant 0 : i32
    %dma_wait3A_175 = arith.constant 0 : i32
    %dma_wait3A_176 = tpu.memref_slice %arg9[%dma_wait3A_172, %dma_wait3A_174, %dma_wait3A_175] : memref<3x112x128xf32, #tpu.memory_space<vmem>> -> memref<1x112x128xf32, #tpu.memory_space<vmem>>
    %dma_wait3A_177 = tpu.memref_squeeze %dma_wait3A_176 : memref<1x112x128xf32, #tpu.memory_space<vmem>> -> memref<112x128xf32, #tpu.memory_space<vmem>>
    %dma_wait3A_178 = arith.constant 0 : i32
    %dma_wait3A_179 = tpu.memref_slice %arg8[%dma_wait3A_173, %dma_wait3A_178] : memref<6x112xi32, #tpu.memory_space<vmem>> -> memref<1x112xi32, #tpu.memory_space<vmem>>
    %dma_wait3A_180 = tpu.memref_squeeze %dma_wait3A_179 : memref<1x112xi32, #tpu.memory_space<vmem>> -> memref<112xi32, #tpu.memory_space<vmem>>
    %dma_wait3A_181 = arith.constant 0 : i32
    %dma_wait3A_182 = arith.constant 0 : i32
    %dma_wait3A_183 = tpu.memref_slice %arg6[%dma_wait3A_181, %dma_wait3A_182] : memref<10240x128xf32, #tpu.memory_space<vmem_shared>> -> memref<10240x128xf32, #tpu.memory_space<vmem_shared>>
    tpu.wait_indirect_dma semaphore(%arg12 : memref<!tpu.dma_semaphore, #tpu.memory_space<semaphore_mem>>) src(%dma_wait3A_177 : memref<112x128xf32, #tpu.memory_space<vmem>>) dst(%dma_wait3A_183 : memref<10240x128xf32, #tpu.memory_space<vmem_shared>>)
    %dma_wait3A_184 = arith.constant 2 : i32
    %dma_wait3A_185 = arith.constant 5 : i32
    %dma_wait3A_186 = arith.constant 0 : i32
    %dma_wait3A_187 = arith.constant 0 : i32
    %dma_wait3A_188 = tpu.memref_slice %arg9[%dma_wait3A_184, %dma_wait3A_186, %dma_wait3A_187] : memref<3x112x128xf32, #tpu.memory_space<vmem>> -> memref<1x112x128xf32, #tpu.memory_space<vmem>>
    %dma_wait3A_189 = tpu.memref_squeeze %dma_wait3A_188 : memref<1x112x128xf32, #tpu.memory_space<vmem>> -> memref<112x128xf32, #tpu.memory_space<vmem>>
    %dma_wait3A_190 = arith.constant 0 : i32
    %dma_wait3A_191 = tpu.memref_slice %arg8[%dma_wait3A_185, %dma_wait3A_190] : memref<6x112xi32, #tpu.memory_space<vmem>> -> memref<1x112xi32, #tpu.memory_space<vmem>>
    %dma_wait3A_192 = tpu.memref_squeeze %dma_wait3A_191 : memref<1x112xi32, #tpu.memory_space<vmem>> -> memref<112xi32, #tpu.memory_space<vmem>>
    %dma_wait3A_193 = arith.constant 0 : i32
    %dma_wait3A_194 = arith.constant 0 : i32
    %dma_wait3A_195 = tpu.memref_slice %arg6[%dma_wait3A_193, %dma_wait3A_194] : memref<10240x128xf32, #tpu.memory_space<vmem_shared>> -> memref<10240x128xf32, #tpu.memory_space<vmem_shared>>
    tpu.wait_indirect_dma semaphore(%arg12 : memref<!tpu.dma_semaphore, #tpu.memory_space<semaphore_mem>>) src(%dma_wait3A_189 : memref<112x128xf32, #tpu.memory_space<vmem>>) dst(%dma_wait3A_195 : memref<10240x128xf32, #tpu.memory_space<vmem_shared>>)
    %barrier3A_196 = arith.constant 0 : index
    tpu.barrier barrier_id(%barrier3A_196)
    %scan3A_197 = arith.constant 0 : i32
    %scan3A_198 = arith.constant 5 : i32
    %scan3A_199 = arith.addi %scan3A_197, %scan3A_198 : i32
    %scan3A_200 = arith.constant 1 : i32
    scf.for %scan3A_202 = %scan3A_197 to %scan3A_199 step %scan3A_200  : i32 {
      %mul3A_203 = arith.constant 1 : i32
      %mul3A_204 = arith.muli %scan3A_202, %mul3A_203 : i32
      %add3A_205 = arith.constant 0 : i32
      %add3A_206 = arith.addi %add3A_205, %mul3A_204 : i32
      %mul3A_207 = arith.constant 640 : i32
      %mul3A_208 = arith.muli %arg1, %mul3A_207 : i32
      %mul3A_209 = arith.constant 128 : i32
      %mul3A_210 = arith.muli %add3A_206, %mul3A_209 : i32
      %add3A_211 = arith.addi %mul3A_208, %mul3A_210 : i32
      "tpu.region"() ({
        %run_scoped3A = tpu.sem_alloc : memref<!tpu.dma_semaphore, #tpu.memory_space<semaphore_mem>>
        %dma_start3A_212 = arith.constant 0 : i32
        %dma_start3A_213 = arith.constant 0 : i32
        %dma_start3A_214 = tpu.memref_slice %arg5[%arg0, %dma_start3A_212, %dma_start3A_213] : memref<2x10240x128xf32, #tpu.memory_space<hbm>> -> memref<1x10240x128xf32, #tpu.memory_space<hbm>>
        %dma_start3A_215 = tpu.memref_squeeze %dma_start3A_214 : memref<1x10240x128xf32, #tpu.memory_space<hbm>> -> memref<10240x128xf32, #tpu.memory_space<hbm>>
        %dma_start3A_216 = arith.constant 0 : i32
        %dma_start3A_217 = tpu.memref_slice %dma_start3A_215[%add3A_211, %dma_start3A_216] : memref<10240x128xf32, #tpu.memory_space<hbm>> -> memref<128x128xf32, #tpu.memory_space<hbm>>
        %dma_start3A_218 = arith.constant 0 : i32
        %dma_start3A_219 = tpu.memref_slice %arg6[%add3A_211, %dma_start3A_218] : memref<10240x128xf32, #tpu.memory_space<vmem_shared>> -> memref<128x128xf32, #tpu.memory_space<vmem_shared>>
        tpu.enqueue_dma source(%dma_start3A_219 : memref<128x128xf32, #tpu.memory_space<vmem_shared>>) target(%dma_start3A_217 : memref<128x128xf32, #tpu.memory_space<hbm>>) target_semaphore(%run_scoped3A : memref<!tpu.dma_semaphore, #tpu.memory_space<semaphore_mem>>)
        %dma_wait3A_220 = arith.constant 0 : i32
        %dma_wait3A_221 = arith.constant 0 : i32
        %dma_wait3A_222 = tpu.memref_slice %arg5[%arg0, %dma_wait3A_220, %dma_wait3A_221] : memref<2x10240x128xf32, #tpu.memory_space<hbm>> -> memref<1x10240x128xf32, #tpu.memory_space<hbm>>
        %dma_wait3A_223 = tpu.memref_squeeze %dma_wait3A_222 : memref<1x10240x128xf32, #tpu.memory_space<hbm>> -> memref<10240x128xf32, #tpu.memory_space<hbm>>
        %dma_wait3A_224 = arith.constant 0 : i32
        %dma_wait3A_225 = tpu.memref_slice %dma_wait3A_223[%add3A_211, %dma_wait3A_224] : memref<10240x128xf32, #tpu.memory_space<hbm>> -> memref<128x128xf32, #tpu.memory_space<hbm>>
        %dma_wait3A_226 = arith.constant 0 : i32
        %dma_wait3A_227 = tpu.memref_slice %arg6[%add3A_211, %dma_wait3A_226] : memref<10240x128xf32, #tpu.memory_space<vmem_shared>> -> memref<128x128xf32, #tpu.memory_space<vmem_shared>>
        tpu.wait_dma2 semaphore(%run_scoped3A : memref<!tpu.dma_semaphore, #tpu.memory_space<semaphore_mem>>) src(%dma_wait3A_227 : memref<128x128xf32, #tpu.memory_space<vmem_shared>>) dst(%dma_wait3A_225 : memref<128x128xf32, #tpu.memory_space<hbm>>)
        tpu.yield
      }) : () -> ()
    }
    %scan3A_201 = arith.constant 5 : i32
    return
  }
}

</mosaic_0001>

<sc_bundles>
// kernel: _sc_agg.3.cloned.1.call-start
scs
__scs_entry_jumppad:
0x0: {  	(pc) =	sbr.rel $0x88, $3  }
0x1: {  	(tag) =	ssettag $0x0;
	lr =	simm.s32 $0x1  }
0x2: {  	[smem:$0x3F9E] =	sst lr;
	_ =	strace $0xD0000000  }
0x3: {  	_ = 	snop  }
0x4: {  	_ = 	snop  }
0x5: {  	_ = 	snop  }
0x6: {  	_ = 	snop  }
0x7: {  	_ = 	snop  }
__scs_overlays_trampoline_lowered:
0x8: {  	[smem:$0x3FAD] =	sst s0  }
0x9: {  	[smem:$0x3FAE] =	sst s1  }
0xa: {  	[smem:$0x3FAF] =	sst s2  }
0xb: {  	[smem:$0x3FB0] =	sst s3  }
0xc: {  	[smem:$0x3FB1] =	sst s4  }
0xd: {  	[smem:$0x3FB2] =	sst s5  }
0xe: {  	[smem:$0x3FB3] =	sst s6  }
0xf: {  	[smem:$0x3FB4] =	sst s7  }
0x10: {  	[smem:$0x3FB5] =	sst s8  }
0x11: {  	[smem:$0x3FB6] =	sst s9;
	s0 =	simm.s32 @!p0 $0x0  }
0x12: {  	s1 =	sld [smem:$0x3F9C];
	s0 =	simm.s32 @p0 $0x1  }
0x13: {  	[smem:$0x3FB7] =	sst s0;
	s0 =	simm.s32 @!p1 $0x0  }
0x14: {  	s2 =	sld [smem:$0x3F9B];
	s0 =	simm.s32 @p1 $0x1  }
0x15: {  	[smem:$0x3FB8] =	sst s0;
	s0 =	simm.s32 @!p2 $0x0  }
0x16: {  	s3 =	sld [smem:$0x3FDB];
	s0 =	simm.s32 @p2 $0x1  }
0x17: {  	s4 =	simm.s32 $0x1BF5;
	[smem:$0x3FBA] =	sst s0  }
0x18: {  	s0 =	sld [smem:$0x3F9D];
	_ =	swait.ge [sflag:s4], $0x0  }
0x19: {  	s7 =	sld [smem:$0x3F9E]  }
0x1a: {  	s8 =	sadd.s32 $0xFFFFE003, lr  }
0x1b: {  	s9 =	sadd.s32 $0xFFFFFEF7, lr;
	s5 =	simm.s32 $0xFFFFFFFF;
	p2 =	slt.u32 s8, $0xFFFFF086  }
0x1c: {  	p1 =	slt.u32 s9, $0xF7A;
	s5 =	simm.s32 @!p2 $0x0  }
0x1d: {  	s5 =	simm.s32 @p1 $0x1;
	p0 =	seq.s32 s7, s2  }
0x1e: {  	s7 =	smul.u32 @!p0 $0xF7A, s2;
	p2 =	seq.s32 @!p0 s5, $0x0  }
0x1f: {  	s9 =	smul.u32 $0xF7A, s1;
	s8 =	simm.s32 @!p0 $0x1BF5;
	p2 =	por !p2, p0  }
0x20: {  	[sflag:s8] =	ssyncset.s32 @!p0 $0xFFFFF086;
	s6 =	sadd.s32 @!p0 s3, s7;
	s7 =	simm.s32 @!p0 $0x108  }
0x21: {  	s3 =	sadd.s32 s3, s9;
	s6 =	sadd.s32 @!p0 $0x88, s6;
	s7 =	simm.s32 @p2 $0x1082  }
0x22: {  	[simem:s7], [sflag:s8] =	dma.local @!p0 [hbm:s6], $0xF7A  }
0x23: {  	s9 =	sor.u32 $0xD0000000, s2;
	s6 =	simm.s32 $0x108;
	_ =	swait.ge @!p0 [sflag:s8], $0x0  }
0x24: {  	s3 =	sadd.s32 $0x88, s3;
	s6 =	simm.s32 @!p1 $0x1082;
	[sflag:s4] =	ssyncset.s32 $0xFFFFF086  }
0x25: {  	[simem:s6], [sflag:s4] =	dma.local [hbm:s3], $0xF7A  }
0x26: {  	[smem:$0x3F9E] =	sst s1;
	(tag) =	ssettag s2;
	_ =	strace s9  }
0x27: {  	s1 =	sld [smem:$0x3FAE]  }
0x28: {  	s2 =	sld [smem:$0x3FAF]  }
0x29: {  	s4 =	sld [smem:$0x3FB1]  }
0x2a: {  	p0 =	seq.s32 s5, $0x0;
	s5 =	sld [smem:$0x3FB2]  }
0x2b: {  	s6 =	sld [smem:$0x3FB3]  }
0x2c: {  	s7 =	sld [smem:$0x3FB4]  }
0x2d: {  	s3 =	simm.s32 $0x108;
	s8 =	sld [smem:$0x3FB5]  }
0x2e: {  	s3 =	simm.s32 @!p0 $0x1082;
	s9 =	sld [smem:$0x3FB6]  }
0x2f: {  	lr =	sadd.s32 s0, s3;
	s0 =	sld [smem:$0x3FAD]  }
0x30: {  	s3 =	sld [smem:$0x3FB0]  }
0x31: {  	[smem:$0x3FB9] =	sst s10  }
0x32: {  	s10 =	sld [smem:$0x3FB7];
	_ =	sdelay $0x3  }
0x33: {  	p0 =	seq.s32 s10, $0x1;
	s10 =	sld [smem:$0x3FB9];
	_ =	sdelay $0x3  }
0x34: {  	[smem:$0x3FB9] =	sst s10  }
0x35: {  	s10 =	sld [smem:$0x3FB8];
	_ =	sdelay $0x3  }
0x36: {  	p1 =	seq.s32 s10, $0x1;
	s10 =	sld [smem:$0x3FB9];
	_ =	sdelay $0x3  }
0x37: {  	[smem:$0x3FB9] =	sst s10  }
0x38: {  	s10 =	sld [smem:$0x3FBA]  }
0x39: {  	_ = 	snop;
	(pc) =	sbr.ind lr, $3  }
0x3a: {  	_ = 	snop  }
0x3b: {  	_ = 	snop  }
0x3c: {  	p2 =	seq.s32 s10, $0x1;
	s10 =	sld [smem:$0x3FB9]  }
0x3d: {  	_ =	shalt  }
0x3e: {  	_ =	shalt  }
0x3f: {  	_ =	shalt  }
0x40: {  	_ =	shalt  }
0x41: {  	_ =	shalt  }
0x42: {  	_ =	shalt  }
0x43: {  	_ =	shalt  }
0x44: {  	_ =	shalt  }
0x45: {  	_ =	shalt  }
0x46: {  	_ =	shalt  }
0x47: {  	_ =	shalt  }
0x48: {  	_ =	shalt  }
0x49: {  	_ =	shalt  }
0x4a: {  	_ =	shalt  }
0x4b: {  	_ =	shalt  }
0x4c: {  	_ =	shalt  }
0x4d: {  	_ =	shalt  }
0x4e: {  	_ =	shalt  }
0x4f: {  	_ =	shalt  }
0x50: {  	_ =	shalt  }
0x51: {  	_ =	shalt  }
0x52: {  	_ =	shalt  }
0x53: {  	_ =	shalt  }
0x54: {  	_ =	shalt  }
0x55: {  	_ =	shalt  }
0x56: {  	_ =	shalt  }
0x57: {  	_ =	shalt  }
0x58: {  	_ =	shalt  }
0x59: {  	_ =	shalt  }
0x5a: {  	_ =	shalt  }
0x5b: {  	_ =	shalt  }
0x5c: {  	_ =	shalt  }
0x5d: {  	_ =	shalt  }
0x5e: {  	_ =	shalt  }
0x5f: {  	_ =	shalt  }
0x60: {  	_ =	shalt  }
0x61: {  	_ =	shalt  }
0x62: {  	_ =	shalt  }
0x63: {  	_ =	shalt  }
0x64: {  	_ =	shalt  }
0x65: {  	_ =	shalt  }
0x66: {  	_ =	shalt  }
0x67: {  	_ =	shalt  }
0x68: {  	_ =	shalt  }
0x69: {  	_ =	shalt  }
0x6a: {  	_ =	shalt  }
0x6b: {  	_ =	shalt  }
0x6c: {  	_ =	shalt  }
0x6d: {  	_ =	shalt  }
0x6e: {  	_ =	shalt  }
0x6f: {  	_ =	shalt  }
0x70: {  	_ =	shalt  }
0x71: {  	_ =	shalt  }
0x72: {  	_ =	shalt  }
0x73: {  	_ =	shalt  }
0x74: {  	_ =	shalt  }
0x75: {  	_ =	shalt  }
0x76: {  	_ =	shalt  }
0x77: {  	_ =	shalt  }
0x78: {  	_ =	shalt  }
0x79: {  	_ =	shalt  }
0x7a: {  	_ =	shalt  }
0x7b: {  	_ =	shalt  }
0x7c: {  	_ =	shalt  }
0x7d: {  	_ =	shalt  }
0x7e: {  	_ =	shalt  }
0x7f: {  	_ =	shalt  }
0x80: {  	_ =	shalt  }
0x81: {  	_ =	shalt  }
0x82: {  	_ =	shalt  }
0x83: {  	_ =	shalt  }
0x84: {  	_ =	shalt  }
0x85: {  	_ =	shalt  }
0x86: {  	_ =	shalt  }
0x87: {  	_ =	shalt  }
.Lfunc_end0:
.L_simem_size_0:
called_computation_lowered:
.L_overlay_start_0:
0x88: {  	s2 =	sld [smem:$0x3FD9]  }
0x89: {  	s3 =	sld [smem:$0x3FFE];
	_ =	sdelay $0x1  }
0x8a: {  	s1 =	srdreg.scid  }
0x8b: {  	s0 =	sand.u32 $0x1, s1  }
0x8c: {  	s18 =	sshll.u32 s0, $0xA;
	s2 =	sadd.s32 s3, s2  }
0x8d: {  	s2 =	sadd.s32 s2, s18  }
0x8e: {  	[smem:$0x3FC5] =	sst s2  }
0x8f: {  	_ = 	snop  }
0x90: {  	s2 =	sld [smem:$0x3FC9]  }
0x91: {  	s19 =	sld [smem:$0x3FC8]  }
0x92: {  	s4 =	sld [smem:$0x3FC7]  }
0x93: {  	s5 =	sld [smem:$0x3FD0];
	(tm) =	ssettm $0x1  }
0x94: {  	s6 =	sld [smem:$0x3FFB];
	_ =	sdelay $0x3  }
0x95: {  	_ =	strace s6  }
0x96: {  	s6 =	sld [smem:$0x3FFC];
	_ =	sdelay $0x3  }
0x97: {  	_ =	strace s6  }
0x98: {  	s6 =	sld [smem:$0x3FFD];
	_ =	sdelay $0x3  }
0x99: {  	_ =	strace s6  }
0x9a: {  	_ =	strace $0x8FFFFFFF  }
0x9b: {  	s20 =	sld [smem:$0x3FDB];
	_ =	sdelay $0x1  }
0x9c: {  	s7 =	simm.s32 $_scs_section_size  }
0x9d: {  	s8 =	simm.s32 $_size__tile_overlayer_lowered;
	s9 =	simm.s32 $_tile_overlayer_lowered  }
0x9e: {  	s23 =	simm.s32 $0x1BFF;
	s22 =	sshll.u32 s9, $0x1;
	s6 =	sadd.s32 s7, s20  }
0x9f: {  	s10 =	simm.s32 $0x0;
	s21 =	sshll.u32 s8, $0x1;
	s8 =	sadd.s32 s22, s6  }
0xa0: {  	[timem:s10], [sflag:s23] =	dma.local [hbm:s8], s21  }
0xa1: {  	_ =	swait.ge [sflag:s23], s21  }
0xa2: {  	s7 =	ssub.s32 $0x0, s21;
	[sflag:s23] =	ssyncset.done $0x0  }
0xa3: {  	[sflag:s23] =	ssyncadd.s32 s7;
	_ =	sdelay $0x1  }
0xa4: {  	s24 =	simm.s32 $0x1B8B  }
0xa5: {  	_ =	swait.ge [sflag:s24], $0x1  }
0xa6: {  	[sflag:s24] =	ssyncset.done $0x0  }
0xa7: {  	s25 =	simm.s32 $0x1B8E;
	[sflag:s24] =	ssyncadd.s32 $0xFFFFFFFF  }
0xa8: {  	s26 =	simm.s32 $execute0_lowered;
	[smem:$0x3FD2] =	sst s25  }
0xa9: {  	s7 =	sshll.u32 s26, $0x1;
	_ =	strace $0x80000046;
	[dreg:$0x1] =	wrdreg $0xFFFFFFFF  }
0xaa: {  	s28 =	simm.s32 $_size_execute0_lowered;
	s6 =	sadd.s32 s6, s7;
	[dreg:$0x0] =	wrdreg $0x0  }
0xab: {  	s7 =	sshll.u32 s28, $0x1;
	[dreg:$0x2] =	wrdreg s6  }
0xac: {  	[dreg:$0x3] =	wrdreg s7  }
0xad: {  	[dreg:$0x4] =	wrdreg $0xC0  }
0xae: {  	_ =	task [dreg:s10], $0x5FFFF  }
0xaf: {  	[dreg:$0x1] =	wrdreg $0xFFFFFFFF  }
0xb0: {  	[dreg:$0x0] =	wrdreg $0x60  }
0xb1: {  	[dreg:$0x2] =	wrdreg s2  }
0xb2: {  	[dreg:$0x3] =	wrdreg s19  }
0xb3: {  	[dreg:$0x4] =	wrdreg s4  }
0xb4: {  	[dreg:$0x5] =	wrdreg s5  }
0xb5: {  	[dreg:$0x6] =	wrdreg $0x0  }
0xb6: {  	[dreg:$0x7] =	wrdreg $0x9  }
0xb7: {  	_ =	task.clear_ibuf [dreg:s10], $0x8FFFF;
	_ =	strace $0x90000046  }
0xb8: {  	s29 =	simm.s32 $0x9;
	_ =	strace $0x80000048  }
0xb9: {  	_ =	swait.ge [sflag:s29], $0x1  }
0xba: {  	[sflag:s29] =	ssyncadd.s32 $0xFFFFFFFF  }
0xbb: {  	_ =	strace $0x90000048  }
0xbc: {  	_ =	sfence  }
0xbd: {  	s30 =	sld [smem:$0x0];
	_ =	sdelay $0x2  }
0xbe: {  	s31 =	sshll.u32 s1, $0xD;
	s1 =	sshrl.u32 s1, $0x2  }
0xbf: {  	s3 =	sand.u32 $0x4000, s31;
	s1 =	sadd.s32 s1, s30  }
0xc0: {  	s0 =	sor.u32 s3, s0;
	s1 =	sshll.u32 s1, $0x11  }
0xc1: {  	s0 =	sor.u32 s1, s0  }
0xc2: {  	s0 =	sadd.s32 $0x8F2B, s0  }
0xc3: {  	[sflag:s0] =	ssyncadd.remote.s32 $0x1  }
0xc4: {  	_ =	sfence.sel $0xFFFF  }
0xc5: {  	[dreg:$0x0] =	wrdreg $0xFFFFFFFF;
	(pc) =	sbr.abs _section_cstart, $3  }
0xc6: {  	[dreg:$0x1] =	wrdreg $0xFFFFFFFF  }
0xc7: {  	_ =	task.clear_ibuf [dreg:s10], $0x2FFFF;
	_ =	strace $0x9FFFFFFF  }
0xc8: {  	(tm) =	ssettm $0x7FFFFFFF  }
0xc9: {  	_ =	shalt  }
tec
execute0_lowered:
.L_overlay_start_1:
0x0: {  	(tag) =	ssettag $0x1  }
0x1: {  	s0 =	rddreg [dreg:$0x0]  }
0x2: {  	s17 =	rddreg [dreg:$0x1]  }
0x3: {  	s18 =	rddreg [dreg:$0x2]  }
0x4: {  	s1 =	rddreg [dreg:$0x3];
	s16 =	stileid.u32  }
0x5: {  	s2 =	srdreg.scid;
	s20 =	smul.u32 $0x280, s16  }
0x6: {  	s5 =	rddreg [dreg:$0x4];
	s6 =	simm.s32 $0x0;
	s26 =	smul.u32 $0x2800, s16  }
0x7: {  	s2 =	sand.u32 $0x1, s2;
	s3 =	sshll.u32 s16, $0x1;
	s19 =	smul.u32 $0x4EC0, s16  }
0x8: {  	[smem:$0x7FF] =	sst s6;
	s3 =	sor.u32 s2, s3;
	s24 =	smul.u32 $0x28000, s2  }
0x9: {  	s4 =	ssub.s32 $0x2, s2;
	_ =	strace $0x80000047;
	s2 =	smul.u32 $0x2760, s2  }
0xa: {  	s3 =	smul.u32 $0x2760, s3;
	s7 =	sshrl.u32 s4, $0x1;
	s12 =	sadd.s32 $0x100, s20  }
0xb: {  	s14 =	sadd.s32 $0x180, s20;
	s4 =	ssub.s32 s4, s7;
	s1 =	sadd.s32 s1, s24  }
0xc: {  	s13 =	sshll.u32 s12, $0x4;
	s7 =	sadd.s32 $0x200, s20;
	s15 =	sshll.u32 s14, $0x4  }
0xd: {  	s2 =	sadd.s32 s2, s19;
	s19 =	sshll.u32 s14, $0x7;
	s3 =	sshrl.u32 s3, $0x3  }
0xe: {  	s4 =	smax.u32 s4, $0x1;
	s8 =	sadd.s32 $0xE, s3;
	s9 =	sadd.s32 $0x1C, s3  }
0xf: {  	s23 =	sadd.s32 $0x2A, s3;
	[dreg:$0x18] =	wrdreg s4;
	s10 =	sadd.s32 s17, s8  }
0x10: {  	s24 =	sadd.s32 $0x38, s3;
	s8 =	sadd.s32 s18, s8;
	[dreg:$0x6] =	wrdreg s10  }
0x11: {  	s21 =	sadd.s32 s17, s9;
	s22 =	sadd.s32 s18, s9;
	[dreg:$0x7] =	wrdreg s8  }
0x12: {  	s25 =	sadd.s32 s17, s23;
	s9 =	sadd.s32 $0x80, s20;
	[dreg:$0x8] =	wrdreg s21  }
0x13: {  	s20 =	sshll.u32 s7, $0x4;
	s7 =	sshll.u32 s7, $0x7;
	[dreg:$0x9] =	wrdreg s22  }
0x14: {  	[dreg:$0xa] =	wrdreg s25;
	s8 =	sadd.s32 s18, s23;
	s11 =	sshll.u32 s9, $0x4  }
0x15: {  	s22 =	sadd.s32 s13, s1;
	s23 =	sadd.s32 s15, s1;
	[dreg:$0xb] =	wrdreg s8  }
0x16: {  	s25 =	sadd.s32 s17, s24;
	s10 =	sadd.s32 s17, s3;
	[dreg:$0xe] =	wrdreg s22  }
0x17: {  	s15 =	sshll.u32 s9, $0x7;
	s9 =	sadd.s32 $0x230, s2;
	[dreg:$0xf] =	wrdreg s23  }
0x18: {  	s8 =	sadd.s32 s26, s1;
	s21 =	sadd.s32 s11, s1;
	[dreg:$0x11] =	wrdreg s25  }
0x19: {  	s1 =	sadd.s32 s20, s1;
	s26 =	smul.u32 $0x50000, s16;
	[dreg:$0x13] =	wrdreg s10  }
0x1a: {  	s11 =	sadd.s32 s18, s3;
	s3 =	sadd.s32 $0x46, s3;
	s16 =	sshll.u32 s12, $0x7  }
0x1b: {  	s20 =	sadd.s32 $0x3F0, s2;
	s22 =	sadd.s32 s7, s5;
	[dreg:$0xc] =	wrdreg s8  }
0x1c: {  	s25 =	sadd.s32 $0x310, s2;
	s10 =	sadd.s32 $0x1C0, s2;
	[dreg:$0xd] =	wrdreg s21  }
0x1d: {  	s14 =	sshrl.u32 s9, $0x3;
	[dreg:$0x10] =	wrdreg s1;
	s1 =	sadd.s32 s18, s24  }
0x1e: {  	[dreg:$0x14] =	wrdreg s11;
	s13 =	sadd.s32 s17, s3;
	s3 =	sadd.s32 s18, s3  }
0x1f: {  	s21 =	sadd.s32 s19, s5;
	s23 =	sshrl.u32 s20, $0x3;
	[dreg:$0x12] =	wrdreg s1  }
0x20: {  	s24 =	sadd.s32 $0x380, s2;
	s8 =	sshrl.u32 s25, $0x3;
	[dreg:$0x15] =	wrdreg s13  }
0x21: {  	s2 =	sadd.s32 $0x2A0, s2;
	[dreg:$0x16] =	wrdreg s3;
	s1 =	sshrl.u32 s26, $0x2  }
0x22: {  	s3 =	sadd.s32 s16, s5;
	s26 =	sadd.s32 s23, s18;
	s28 =	sadd.s32 s23, s17  }
0x23: {  	s7 =	sshrl.u32 s24, $0x3;
	s31 =	sadd.s32 s8, s18;
	s4 =	sadd.s32 s8, s17  }
0x24: {  	[dreg:$0x19] =	wrdreg s2;
	s8 =	sadd.s32 s14, s17;
	s13 =	sadd.s32 s1, s5  }
0x25: {  	s1 =	sadd.s32 s15, s5;
	s29 =	sadd.s32 s7, s18;
	s16 =	sshrl.u32 s3, $0x3  }
0x26: {  	s30 =	sadd.s32 s7, s17;
	s15 =	sshrl.u32 s10, $0x3;
	[dreg:$0x1b] =	wrdreg s16  }
0x27: {  	s7 =	sadd.s32 s14, s18;
	s1 =	sshrl.u32 s1, $0x3;
	[dreg:$0x17] =	wrdreg s13  }
0x28: {  	s10 =	sadd.s32 s15, s17;
	s17 =	sshrl.u32 s21, $0x3;
	[dreg:$0x1a] =	wrdreg s1  }
0x29: {  	s9 =	sadd.s32 s15, s18;
	s18 =	sshrl.u32 s22, $0x3;
	[dreg:$0x1c] =	wrdreg s17  }
0x2a: {  	s19 =	sadd.s32 $0x2800, s13;
	[dreg:$0x1d] =	wrdreg s18  }
0x2b: {  	s11 =	simm.s32 $0x0;
	s20 =	sadd.s32 $0x5000, s13;
	[dreg:$0x1e] =	wrdreg s19  }
0x2c: {  	s2 =	simm.s32 $0x2;
	s21 =	sadd.s32 $0x7800, s13;
	[dreg:$0x1f] =	wrdreg s20  }
0x2d: {  	s14 =	simm.s32 $0x14680;
	s22 =	sadd.s32 $0xA000, s13;
	[smem:$0x7F9] =	sst s21  }
0x2e: {  	s3 =	simm.s32 $0x1B800;
	s23 =	sadd.s32 $0xC800, s13;
	[smem:$0x7FA] =	sst s22  }
.Ltmp0:
0x2f: {  	s24 =	sadd.s32 $0xF000, s13;
	[smem:$0x7FB] =	sst s23;
	(pc) =	sbr.rel .LBB2_1-.Ltmp0, $4  }
0x30: {  	s25 =	sadd.s32 $0x11800, s13;
	s15 =	simm.s32 $0x14180;
	[smem:$0x7FC] =	sst s24  }
0x31: {  	s16 =	simm.s32 $0x14580;
	[smem:$0x7FD] =	sst s25;
	s22 =	simm.s32 $0x14800  }
0x32: {  	s23 =	simm.s32 $0x4;
	s19 =	simm.s32 $0x14280;
	s21 =	simm.s32 $0x1  }
0x33: {  	v0 =	vimm.f32 $0.0e+00;
	s20 =	simm.s32 $0x70;
	s24 =	simm.s32 $0x18000;
	s25 =	simm.s32 $0x3  }
.LBB2_6:
0x34: {  	_ =	swait.ge [sflag:s2], $0x3800  }
0x35: {  	[sflag:s2] =	ssyncset.done $0x0  }
0x36: {  	s14 =	simm.s32 $0x14680;
	[sflag:s2] =	ssyncadd.s32 $0xFFFFC800  }
0x37: {  	[spmem:s5] =	stream.indirect.scatter.add.f32 [tilespmem:s3], [sflag:$0x3], $0x80, s14, s20, $0xb8;
	[tilespmem:$0x1F000] =	vst v63  }
0x38: {  	_ =	swait.ge [sflag:s25], $0x3800  }
0x39: {  	[sflag:s25] =	ssyncset.done $0x0  }
0x3a: {  	[sflag:s25] =	ssyncadd.s32 $0xFFFFC800  }
0x3b: {  	_ =	swait.ge [sflag:s25], $0x3800  }
0x3c: {  	[sflag:s25] =	ssyncset.done $0x0  }
0x3d: {  	[sflag:s25] =	ssyncadd.s32 $0xFFFFC800  }
0x3e: {  	s1 =	stileid.u32;
	[bflag:$0x0] =	sbarrier.arrive $0xFFFF  }
0x3f: {  	s1 =	sshll.u32 s1, $0x6;
	s13 =	rddreg [dreg:$0x17]  }
0x40: {  	s1 =	sor.u32 $0x1C04, s1;
	s12 =	rddreg [dreg:$0xc];
	s11 =	sshrl.u32 s13, $0x3  }
0x41: {  	[hbm:s12], [sflag:s1] =	dma.local [spmem:s11], $0x800  }
0x42: {  	_ =	swait.ge [sflag:s23], $0x800  }
0x43: {  	[sflag:s23] =	ssyncset.done $0x0;
	s17 =	rddreg [dreg:$0xd]  }
0x44: {  	s18 =	rddreg [dreg:$0x1a];
	[sflag:s23] =	ssyncadd.s32 $0xFFFFF800  }
0x45: {  	[hbm:s17], [sflag:s1] =	dma.local [spmem:s18], $0x800  }
0x46: {  	_ =	swait.ge [sflag:s23], $0x800  }
0x47: {  	[sflag:s23] =	ssyncset.done $0x0;
	s17 =	rddreg [dreg:$0xe]  }
0x48: {  	s18 =	rddreg [dreg:$0x1b];
	[sflag:s23] =	ssyncadd.s32 $0xFFFFF800  }
0x49: {  	[hbm:s17], [sflag:s1] =	dma.local [spmem:s18], $0x800  }
0x4a: {  	_ =	swait.ge [sflag:s23], $0x800  }
0x4b: {  	[sflag:s23] =	ssyncset.done $0x0;
	s17 =	rddreg [dreg:$0xf]  }
0x4c: {  	s18 =	rddreg [dreg:$0x1c];
	[sflag:s23] =	ssyncadd.s32 $0xFFFFF800  }
0x4d: {  	[hbm:s17], [sflag:s1] =	dma.local [spmem:s18], $0x800  }
0x4e: {  	_ =	swait.ge [sflag:s23], $0x800  }
0x4f: {  	[sflag:s23] =	ssyncset.done $0x0;
	s17 =	rddreg [dreg:$0x10]  }
0x50: {  	s18 =	rddreg [dreg:$0x1d];
	[sflag:s23] =	ssyncadd.s32 $0xFFFFF800  }
0x51: {  	[hbm:s17], [sflag:s1] =	dma.local [spmem:s18], $0x800  }
0x52: {  	_ =	swait.ge [sflag:s23], $0x800  }
0x53: {  	s17 =	sld [smem:$0x7F8];
	_ =	sdelay $0x2  }
0x54: {  	s18 =	rddreg [dreg:$0x18];
	s11 =	sadd.s32 $0x1, s17  }
0x55: {  	p0 =	sne.s32 s11, s18  }
.Ltmp1:
0x56: {  	_ = 	snop;
	(pc) =	sbr.rel @!p0 .LBB2_7-.Ltmp1, $3  }
0x57: {  	_ =	sdelay $0x1  }
0x58: {  	[sflag:s23] =	ssyncset.done $0x0  }
0x59: {  	[sflag:s23] =	ssyncadd.s32 $0xFFFFF800  }
.LBB2_1:
0x5a: {  	[smem:$0x7F8] =	sst s11;
	s1 =	simm.s32 $0x70;
	s11 =	simm.s32 $0x3C0  }
.LBB2_2:
0x5b: {  	p0 =	sne.s32 s11, $0xDFC0;
	[tilespmem:s1+$0x14800] =	vst v0  }
0x5c: {  	[tilespmem:s1+$0x14790] =	vst v0  }
0x5d: {  	[tilespmem:s1+$0x147A0] =	vst v0  }
.Ltmp2:
0x5e: {  	[tilespmem:s1+$0x147B0] =	vst v0;
	(pc) =	sbr.rel @p0 .LBB2_2-.Ltmp2, $4  }
0x5f: {  	[tilespmem:s1+$0x147C0] =	vst v0  }
0x60: {  	[tilespmem:s1+$0x147D0] =	vst v0  }
0x61: {  	[tilespmem:s1+$0x147E0] =	vst v0  }
0x62: {  	[tilespmem:s1+$0x147F0] =	vst v0;
	s1 =	sshra.s32 s11, $0x2;
	s11 =	sadd.s32 $0x200, s11  }
0x63: {  	[tilespmem:s1+$0x14800] =	vst v0  }
0x64: {  	[tilespmem:s1+$0x14790] =	vst v0  }
0x65: {  	[tilespmem:s1+$0x147A0] =	vst v0  }
0x66: {  	[tilespmem:s1+$0x147B0] =	vst v0  }
0x67: {  	[tilespmem:s1+$0x147C0] =	vst v0  }
0x68: {  	[tilespmem:s1+$0x147D0] =	vst v0  }
0x69: {  	[tilespmem:s1+$0x147E0] =	vst v0  }
0x6a: {  	[tilespmem:s1+$0x147F0] =	vst v0  }
0x6b: {  	[spmem:s13] =	stream.linear.scatter [tilespmem:s22], [sflag:$0x4], $0x2800, $0x38;
	[tilespmem:$0x1F000] =	vst v63  }
0x6c: {  	_ =	swait.ge [sflag:s23], $0x2800  }
0x6d: {  	[sflag:s23] =	ssyncset.done $0x0  }
0x6e: {  	s12 =	rddreg [dreg:$0x1e];
	[sflag:s23] =	ssyncadd.s32 $0xFFFFD800  }
0x6f: {  	[spmem:s12] =	stream.linear.scatter [tilespmem:s22], [sflag:$0x4], $0x2800, $0x38;
	[tilespmem:$0x1F000] =	vst v63  }
0x70: {  	_ =	swait.ge [sflag:s23], $0x2800  }
0x71: {  	[sflag:s23] =	ssyncset.done $0x0  }
0x72: {  	s13 =	rddreg [dreg:$0x1f];
	[sflag:s23] =	ssyncadd.s32 $0xFFFFD800  }
0x73: {  	[spmem:s13] =	stream.linear.scatter [tilespmem:s22], [sflag:$0x4], $0x2800, $0x38;
	[tilespmem:$0x1F000] =	vst v63  }
0x74: {  	_ =	swait.ge [sflag:s23], $0x2800  }
0x75: {  	s17 =	sld [smem:$0x7F9]  }
0x76: {  	[sflag:s23] =	ssyncset.done $0x0  }
0x77: {  	[sflag:s23] =	ssyncadd.s32 $0xFFFFD800  }
0x78: {  	[spmem:s17] =	stream.linear.scatter [tilespmem:s22], [sflag:$0x4], $0x2800, $0x38;
	[tilespmem:$0x1F000] =	vst v63  }
0x79: {  	_ =	swait.ge [sflag:s23], $0x2800  }
0x7a: {  	s18 =	sld [smem:$0x7FA]  }
0x7b: {  	[sflag:s23] =	ssyncset.done $0x0  }
0x7c: {  	[sflag:s23] =	ssyncadd.s32 $0xFFFFD800  }
0x7d: {  	[spmem:s18] =	stream.linear.scatter [tilespmem:s22], [sflag:$0x4], $0x2800, $0x38;
	[tilespmem:$0x1F000] =	vst v63  }
0x7e: {  	_ =	swait.ge [sflag:s23], $0x2800  }
0x7f: {  	s11 =	sld [smem:$0x7FB]  }
0x80: {  	[sflag:s23] =	ssyncset.done $0x0  }
0x81: {  	[sflag:s23] =	ssyncadd.s32 $0xFFFFD800  }
0x82: {  	[spmem:s11] =	stream.linear.scatter [tilespmem:s22], [sflag:$0x4], $0x2800, $0x38;
	[tilespmem:$0x1F000] =	vst v63  }
0x83: {  	_ =	swait.ge [sflag:s23], $0x2800  }
0x84: {  	s12 =	sld [smem:$0x7FC]  }
0x85: {  	[sflag:s23] =	ssyncset.done $0x0  }
0x86: {  	[sflag:s23] =	ssyncadd.s32 $0xFFFFD800  }
0x87: {  	[spmem:s12] =	stream.linear.scatter [tilespmem:s22], [sflag:$0x4], $0x2800, $0x38;
	[tilespmem:$0x1F000] =	vst v63  }
0x88: {  	_ =	swait.ge [sflag:s23], $0x2800  }
0x89: {  	s13 =	sld [smem:$0x7FD]  }
0x8a: {  	[sflag:s23] =	ssyncset.done $0x0  }
0x8b: {  	[sflag:s23] =	ssyncadd.s32 $0xFFFFD800  }
0x8c: {  	[spmem:s13] =	stream.linear.scatter [tilespmem:s22], [sflag:$0x4], $0x2800, $0x38;
	[tilespmem:$0x1F000] =	vst v63  }
0x8d: {  	_ =	swait.ge [sflag:s23], $0x2800  }
0x8e: {  	[sflag:s23] =	ssyncset.done $0x0  }
0x8f: {  	[sflag:s23] =	ssyncadd.s32 $0xFFFFD800  }
0x90: {  	[bflag:$0x0] =	sbarrier.arrive $0xFFFF  }
0x91: {  	s11 =	rddreg [dreg:$0x13]  }
0x92: {  	s1 =	simm.s32 $0x0;
	s12 =	simm.s32 $0x14000;
	s17 =	rddreg [dreg:$0x14]  }
0x93: {  	[tilespmem:s12], [sflag:$0x1] =	stream.linear.gather [hbm4b:s11+s1], $0x70, $0x38;
	[tilespmem:$0x1F000] =	vst v63  }
0x94: {  	s18 =	simm.s32 $0x14400;
	s12 =	rddreg [dreg:$0x6]  }
0x95: {  	[tilespmem:s18], [sflag:$0x1] =	stream.linear.gather [hbm4b:s17+s1], $0x70, $0x38;
	[tilespmem:$0x1F000] =	vst v63  }
0x96: {  	s13 =	simm.s32 $0x14080;
	s11 =	rddreg [dreg:$0x19]  }
0x97: {  	[tilespmem:s13], [sflag:$0x1] =	stream.linear.gather [hbm4b:s12+s1], $0x70, $0x38;
	[tilespmem:$0x1F000] =	vst v63  }
0x98: {  	s17 =	rddreg [dreg:$0x7];
	s18 =	simm.s32 $0x14480  }
0x99: {  	[tilespmem:s18], [sflag:$0x1] =	stream.linear.gather [hbm4b:s17+s1], $0x70, $0x38;
	[tilespmem:$0x1F000] =	vst v63  }
0x9a: {  	s12 =	rddreg [dreg:$0x8];
	s13 =	simm.s32 $0x14100  }
0x9b: {  	[tilespmem:s13], [sflag:$0x1] =	stream.linear.gather [hbm4b:s12+s1], $0x70, $0x38;
	[tilespmem:$0x1F000] =	vst v63  }
0x9c: {  	s17 =	rddreg [dreg:$0x9];
	s18 =	simm.s32 $0x14500  }
0x9d: {  	[tilespmem:s18], [sflag:$0x1] =	stream.linear.gather [hbm4b:s17+s1], $0x70, $0x38;
	[tilespmem:$0x1F000] =	vst v63  }
0x9e: {  	s12 =	rddreg [dreg:$0xa]  }
0x9f: {  	[tilespmem:s15], [sflag:$0x1] =	stream.linear.gather [hbm4b:s12+s1], $0x70, $0x38;
	[tilespmem:$0x1F000] =	vst v63  }
0xa0: {  	s13 =	rddreg [dreg:$0xb]  }
0xa1: {  	[tilespmem:s16], [sflag:$0x1] =	stream.linear.gather [hbm4b:s13+s1], $0x70, $0x38;
	[tilespmem:$0x1F000] =	vst v63  }
0xa2: {  	s17 =	rddreg [dreg:$0x11];
	s18 =	simm.s32 $0x14200  }
0xa3: {  	[tilespmem:s18], [sflag:$0x1] =	stream.linear.gather [hbm4b:s17+s1], $0x70, $0x38;
	[tilespmem:$0x1F000] =	vst v63  }
0xa4: {  	s12 =	rddreg [dreg:$0x12];
	s13 =	simm.s32 $0x14600  }
0xa5: {  	[tilespmem:s13], [sflag:$0x1] =	stream.linear.gather [hbm4b:s12+s1], $0x70, $0x38;
	[tilespmem:$0x1F000] =	vst v63  }
0xa6: {  	s17 =	rddreg [dreg:$0x15]  }
0xa7: {  	[tilespmem:s19], [sflag:$0x1] =	stream.linear.gather [hbm4b:s17+s1], $0x70, $0x38;
	[tilespmem:$0x1F000] =	vst v63  }
0xa8: {  	s18 =	rddreg [dreg:$0x16]  }
0xa9: {  	[tilespmem:s14], [sflag:$0x1] =	stream.linear.gather [hbm4b:s18+s1], $0x70, $0x38;
	[tilespmem:$0x1F000] =	vst v63  }
.LBB2_4:
0xaa: {  	_ =	swait.ge [sflag:s21], $0x70  }
0xab: {  	[sflag:s21] =	ssyncset.done $0x0  }
0xac: {  	[sflag:s21] =	ssyncadd.s32 $0xFFFFFF90  }
0xad: {  	_ =	swait.ge [sflag:s21], $0x70  }
0xae: {  	[sflag:s21] =	ssyncset.done $0x0  }
0xaf: {  	s12 =	simm.s32 $0x14000;
	p0 =	seq.s32 s1, $0x0;
	[sflag:s21] =	ssyncadd.s32 $0xFFFFFF90  }
0xb0: {  	[tilespmem:s22], [sflag:$0x2] =	stream.indirect.gather [hbm4b:s0+s20], $0x80, s12, s20, $0xb8;
	[tilespmem:$0x1F000] =	vst v63  }
0xb1: {  	s12 =	simm.s32 @!p0 $0x2  }
0xb2: {  	_ =	swait.ge @!p0 [sflag:s12], $0x3800  }
0xb3: {  	s13 =	simm.s32 @!p0 $0x14680;
	[sflag:s12] =	ssyncset.done @!p0 $0x0  }
0xb4: {  	s14 =	simm.s32 @!p0 $0x1B800;
	[sflag:s12] =	ssyncadd.s32 @!p0 $0xFFFFC800;
	s12 =	simm.s32 @!p0 $0x70  }
0xb5: {  	[spmem:s5] =	stream.indirect.scatter.add.f32 @!p0 [tilespmem:s14], [sflag:$0x3], $0x80, s13, s12, $0xb8;
	[tilespmem:$0x1F000] =	vst v63  }
0xb6: {  	s12 =	simm.s32 @!p0 $0x3  }
0xb7: {  	_ =	swait.ge @!p0 [sflag:s12], $0x3800  }
0xb8: {  	s17 =	simm.s32 @!p0 $0x0;
	[sflag:s12] =	ssyncset.done @!p0 $0x0  }
0xb9: {  	s18 =	simm.s32 @!p0 $0x14200;
	s14 =	sadd.s32 @!p0 s1, s10;
	[sflag:s12] =	ssyncadd.s32 @!p0 $0xFFFFC800  }
0xba: {  	[tilespmem:s18], [sflag:$0x1] =	stream.linear.gather @!p0 [hbm4b:s14+s17], $0x70, $0x38;
	[tilespmem:$0x1F000] =	vst v63  }
0xbb: {  	s14 =	sadd.s32 @!p0 s1, s9;
	s18 =	simm.s32 @!p0 $0x14600  }
0xbc: {  	[tilespmem:s18], [sflag:$0x1] =	stream.linear.gather @!p0 [hbm4b:s14+s17], $0x70, $0x38;
	[tilespmem:$0x1F000] =	vst v63  }
0xbd: {  	_ =	swait.ge [sflag:s21], $0x70  }
0xbe: {  	[sflag:s21] =	ssyncset.done $0x0  }
0xbf: {  	[sflag:s21] =	ssyncadd.s32 $0xFFFFFF90  }
0xc0: {  	_ =	swait.ge [sflag:s21], $0x70  }
0xc1: {  	[sflag:s21] =	ssyncset.done $0x0  }
0xc2: {  	s18 =	simm.s32 $0x14080;
	[sflag:s21] =	ssyncadd.s32 $0xFFFFFF90  }
0xc3: {  	[tilespmem:s24], [sflag:$0x2] =	stream.indirect.gather [hbm4b:s0+s20], $0x80, s18, s20, $0xb8;
	[tilespmem:$0x1F000] =	vst v63  }
0xc4: {  	_ =	swait.ge [sflag:s2], $0x3800  }
0xc5: {  	[sflag:s2] =	ssyncset.done $0x0  }
0xc6: {  	s18 =	simm.s32 $0x14400;
	[sflag:s2] =	ssyncadd.s32 $0xFFFFC800  }
0xc7: {  	[spmem:s5] =	stream.indirect.scatter.add.f32 [tilespmem:s22], [sflag:$0x3], $0x80, s18, s20, $0xb8;
	[tilespmem:$0x1F000] =	vst v63  }
0xc8: {  	_ =	swait.ge @!p0 [sflag:s12], $0x3800  }
0xc9: {  	[sflag:s12] =	ssyncset.done @!p0 $0x0  }
0xca: {  	s14 =	simm.s32 @!p0 $0x14280;
	[sflag:s12] =	ssyncadd.s32 @!p0 $0xFFFFC800;
	s12 =	sadd.s32 @!p0 s1, s8  }
0xcb: {  	[tilespmem:s14], [sflag:$0x1] =	stream.linear.gather @!p0 [hbm4b:s12+s17], $0x70, $0x38;
	[tilespmem:$0x1F000] =	vst v63  }
0xcc: {  	s12 =	sadd.s32 @!p0 s1, s7  }
0xcd: {  	[tilespmem:s13], [sflag:$0x1] =	stream.linear.gather @!p0 [hbm4b:s12+s17], $0x70, $0x38;
	[tilespmem:$0x1F000] =	vst v63  }
0xce: {  	_ =	swait.ge [sflag:s21], $0x70  }
0xcf: {  	[sflag:s21] =	ssyncset.done $0x0  }
0xd0: {  	[sflag:s21] =	ssyncadd.s32 $0xFFFFFF90  }
0xd1: {  	_ =	swait.ge [sflag:s21], $0x70  }
0xd2: {  	[sflag:s21] =	ssyncset.done $0x0  }
0xd3: {  	s17 =	simm.s32 $0x14100;
	[sflag:s21] =	ssyncadd.s32 $0xFFFFFF90  }
0xd4: {  	[tilespmem:s3], [sflag:$0x2] =	stream.indirect.gather [hbm4b:s0+s20], $0x80, s17, s20, $0xb8;
	[tilespmem:$0x1F000] =	vst v63  }
0xd5: {  	_ =	swait.ge [sflag:s2], $0x3800  }
0xd6: {  	[sflag:s2] =	ssyncset.done $0x0  }
0xd7: {  	s18 =	simm.s32 $0x14480;
	[sflag:s2] =	ssyncadd.s32 $0xFFFFC800  }
0xd8: {  	[spmem:s5] =	stream.indirect.scatter.add.f32 [tilespmem:s24], [sflag:$0x3], $0x80, s18, s20, $0xb8;
	[tilespmem:$0x1F000] =	vst v63  }
0xd9: {  	_ =	swait.ge [sflag:s25], $0x3800  }
0xda: {  	[sflag:s25] =	ssyncset.done $0x0  }
0xdb: {  	p0 =	seq.s32 s1, $0x498;
	[sflag:s25] =	ssyncadd.s32 $0xFFFFC800  }
0xdc: {  	s12 =	sshrl.u32 @!p0 s11, $0x3;
	s13 =	rddreg [dreg:$0x1]  }
0xdd: {  	s14 =	simm.s32 @!p0 $0x0;
	s17 =	simm.s32 @!p0 $0x14000;
	s13 =	sadd.s32 @!p0 s13, s12  }
0xde: {  	[tilespmem:s17], [sflag:$0x1] =	stream.linear.gather @!p0 [hbm4b:s13+s14], $0x70, $0x38;
	[tilespmem:$0x1F000] =	vst v63  }
0xdf: {  	s13 =	rddreg [dreg:$0x2]  }
0xe0: {  	s12 =	sadd.s32 @!p0 s13, s12;
	s13 =	simm.s32 @!p0 $0x14400  }
0xe1: {  	[tilespmem:s13], [sflag:$0x1] =	stream.linear.gather @!p0 [hbm4b:s12+s14], $0x70, $0x38;
	[tilespmem:$0x1F000] =	vst v63  }
0xe2: {  	_ =	swait.ge [sflag:s21], $0x70  }
0xe3: {  	[sflag:s21] =	ssyncset.done $0x0  }
0xe4: {  	[sflag:s21] =	ssyncadd.s32 $0xFFFFFF90  }
0xe5: {  	_ =	swait.ge [sflag:s21], $0x70  }
0xe6: {  	[sflag:s21] =	ssyncset.done $0x0  }
0xe7: {  	[sflag:s21] =	ssyncadd.s32 $0xFFFFFF90  }
0xe8: {  	[tilespmem:s22], [sflag:$0x2] =	stream.indirect.gather [hbm4b:s0+s20], $0x80, s15, s20, $0xb8;
	[tilespmem:$0x1F000] =	vst v63  }
0xe9: {  	_ =	swait.ge [sflag:s2], $0x3800  }
0xea: {  	[sflag:s2] =	ssyncset.done $0x0  }
0xeb: {  	s13 =	simm.s32 $0x14500;
	[sflag:s2] =	ssyncadd.s32 $0xFFFFC800  }
0xec: {  	[spmem:s5] =	stream.indirect.scatter.add.f32 [tilespmem:s3], [sflag:$0x3], $0x80, s13, s20, $0xb8;
	[tilespmem:$0x1F000] =	vst v63  }
0xed: {  	_ =	swait.ge [sflag:s25], $0x3800  }
0xee: {  	[sflag:s25] =	ssyncset.done $0x0  }
0xef: {  	s12 =	sadd.s32 @!p0 s1, s4;
	s13 =	simm.s32 @!p0 $0x14080;
	[sflag:s25] =	ssyncadd.s32 $0xFFFFC800  }
0xf0: {  	[tilespmem:s13], [sflag:$0x1] =	stream.linear.gather @!p0 [hbm4b:s12+s14], $0x70, $0x38;
	[tilespmem:$0x1F000] =	vst v63  }
0xf1: {  	s12 =	sadd.s32 @!p0 s1, s31;
	s13 =	simm.s32 @!p0 $0x14480  }
0xf2: {  	[tilespmem:s13], [sflag:$0x1] =	stream.linear.gather @!p0 [hbm4b:s12+s14], $0x70, $0x38;
	[tilespmem:$0x1F000] =	vst v63  }
0xf3: {  	_ =	swait.ge [sflag:s21], $0x70  }
0xf4: {  	[sflag:s21] =	ssyncset.done $0x0  }
0xf5: {  	[sflag:s21] =	ssyncadd.s32 $0xFFFFFF90  }
0xf6: {  	_ =	swait.ge [sflag:s21], $0x70  }
0xf7: {  	[sflag:s21] =	ssyncset.done $0x0  }
0xf8: {  	s17 =	simm.s32 $0x14200;
	[sflag:s21] =	ssyncadd.s32 $0xFFFFFF90  }
0xf9: {  	[tilespmem:s24], [sflag:$0x2] =	stream.indirect.gather [hbm4b:s0+s20], $0x80, s17, s20, $0xb8;
	[tilespmem:$0x1F000] =	vst v63  }
0xfa: {  	_ =	swait.ge [sflag:s2], $0x3800  }
0xfb: {  	[sflag:s2] =	ssyncset.done $0x0  }
0xfc: {  	[sflag:s2] =	ssyncadd.s32 $0xFFFFC800  }
0xfd: {  	[spmem:s5] =	stream.indirect.scatter.add.f32 [tilespmem:s22], [sflag:$0x3], $0x80, s16, s20, $0xb8;
	[tilespmem:$0x1F000] =	vst v63  }
0xfe: {  	_ =	swait.ge [sflag:s25], $0x3800  }
0xff: {  	[sflag:s25] =	ssyncset.done $0x0  }
0x100: {  	s12 =	sadd.s32 @!p0 s1, s30;
	s13 =	simm.s32 @!p0 $0x14100;
	[sflag:s25] =	ssyncadd.s32 $0xFFFFC800  }
0x101: {  	[tilespmem:s13], [sflag:$0x1] =	stream.linear.gather @!p0 [hbm4b:s12+s14], $0x70, $0x38;
	[tilespmem:$0x1F000] =	vst v63  }
0x102: {  	s12 =	sadd.s32 @!p0 s1, s29;
	s13 =	simm.s32 @!p0 $0x14500  }
0x103: {  	[tilespmem:s13], [sflag:$0x1] =	stream.linear.gather @!p0 [hbm4b:s12+s14], $0x70, $0x38;
	[tilespmem:$0x1F000] =	vst v63  }
0x104: {  	_ =	swait.ge [sflag:s21], $0x70  }
0x105: {  	[sflag:s21] =	ssyncset.done $0x0  }
0x106: {  	[sflag:s21] =	ssyncadd.s32 $0xFFFFFF90  }
0x107: {  	_ =	swait.ge [sflag:s21], $0x70  }
0x108: {  	[sflag:s21] =	ssyncset.done $0x0  }
0x109: {  	[sflag:s21] =	ssyncadd.s32 $0xFFFFFF90  }
0x10a: {  	[tilespmem:s3], [sflag:$0x2] =	stream.indirect.gather [hbm4b:s0+s20], $0x80, s19, s20, $0xb8;
	[tilespmem:$0x1F000] =	vst v63  }
0x10b: {  	_ =	swait.ge [sflag:s2], $0x3800  }
0x10c: {  	[sflag:s2] =	ssyncset.done $0x0  }
.Ltmp3:
0x10d: {  	s18 =	simm.s32 $0x14600;
	[sflag:s2] =	ssyncadd.s32 $0xFFFFC800;
	(pc) =	sbr.rel @p0 .LBB2_6-.Ltmp3, $4  }
0x10e: {  	[spmem:s5] =	stream.indirect.scatter.add.f32 [tilespmem:s24], [sflag:$0x3], $0x80, s18, s20, $0xb8;
	[tilespmem:$0x1F000] =	vst v63  }
0x10f: {  	_ =	swait.ge [sflag:s25], $0x3800  }
0x110: {  	[sflag:s25] =	ssyncset.done $0x0  }
0x111: {  	[sflag:s25] =	ssyncadd.s32 $0xFFFFC800  }
.Ltmp4:
0x112: {  	(pc) =	sbr.rel .LBB2_4-.Ltmp4, $4  }
0x113: {  	s12 =	sadd.s32 s1, s28  }
0x114: {  	[tilespmem:s15], [sflag:$0x1] =	stream.linear.gather [hbm4b:s12+s6], $0x70, $0x38;
	[tilespmem:$0x1F000] =	vst v63  }
0x115: {  	s18 =	sadd.s32 s1, s26;
	s1 =	sadd.s32 $0x54, s1;
	s11 =	sadd.s32 $0x2A0, s11  }
0x116: {  	[tilespmem:s16], [sflag:$0x1] =	stream.linear.gather [hbm4b:s18+s6], $0x70, $0x38;
	[tilespmem:$0x1F000] =	vst v63  }
.LBB2_7:
0x117: {  	_ =	sfence.sel $0x180000  }
0x118: {  	[bflag:$0x0] =	sbarrier.arrive $0xFFFF  }
0x119: {  	_ =	strace $0x90000047  }
0x11a: {  	s0 =	stileid.u32;
	[bflag:$0x2] =	sbarrier.arrive $0xFFFF  }
0x11b: {  	p0 =	sne.s32 s0, $0x0;
	s0 =	rddreg [dreg:$0x5]  }
0x11c: {  	s0 =	sadd.s32 @!p0 $0x100000, s0  }
0x11d: {  	[sflag:s0] =	ssyncadd.tile.s32 @!p0 $0x1;
	_ =	shalt  }
.Lfunc_end2:
_tile_overlayer_lowered:
.L_overlay_start_2:
0x11e: {  	(tag) =	ssettag $0x2  }
0x11f: {  	s0 =	rddreg [dreg:$0x0];
	s2 =	stileid.u32  }
0x120: {  	s1 =	rddreg [dreg:$0x1];
	p0 =	sne.s32 s2, $0x0  }
0x121: {  	s3 =	rddreg [dreg:$0x2];
	[bflag:$0x3] =	sbarrier.arrive $0xFFFF;
	s2 =	simm.s32 @!p0 $0x1C04  }
0x122: {  	[timem:s3], [sflag:s2] =	dma.local @!p0 [hbm:s0], s1  }
0x123: {  	s0 =	simm.s32 @!p0 $0x4  }
0x124: {  	_ =	swait.ge @!p0 [sflag:s0], s1  }
0x125: {  	s1 =	ssub.s32 @!p0 $0x0, s1;
	[sflag:s0] =	ssyncset.done @!p0 $0x0  }
0x126: {  	[sflag:s0] =	ssyncadd.s32 @!p0 s1  }
0x127: {  	[bflag:$0x3] =	sbarrier.arrive $0xFFFF  }
0x128: {  	_ =	shalt  }

</sc_bundles>
